<compile_context>
chip_gen: v7x
topology: tpu7x:2x2x1
jax: 0.10.2.dev20260603
libtpu: 0.0.44.dev20260713+nightly
codegen_flags: <defaults>
</compile_context>

<pallas_src>
import functools

import jax
import jax.numpy as jnp
from jax import lax
from jax.experimental import pallas as pl
from jax.experimental.pallas import tpu as pltpu
from jax.experimental.pallas import tpu_sc as plsc

NUM_EMB = 1000000
DIM = 32
BATCH = 16384

NC = 2
NS = 16
NW = NC * NS
BPW = BATCH // NW
IDX_MINOR = 64
NJ = BPW // IDX_MINOR
NCH = BPW // 16

TV_PAD = 1 << 20
A_BLK = 65536
A_GRID = TV_PAD // A_BLK
TVR = TV_PAD // 128


def _tv_body(wt_ref, tbl_ref, tv_ref):
    tv_ref[...] = jnp.dot(
        wt_ref[...], tbl_ref[...], preferred_element_type=jnp.float32
    ).reshape(A_BLK)


def _splat(vec16, lane):
    dnums = lax.GatherDimensionNumbers(
        offset_dims=(), collapsed_slice_dims=(0,), start_index_map=(0,)
    )
    idx = jnp.full((16, 1), lane, jnp.int32)
    return lax.gather(
        vec16, idx, dnums, slice_sizes=(1,),
        mode=lax.GatherScatterMode.PROMISE_IN_BOUNDS,
    )


def _sc_body(x_hbm, tv_hbm, b_hbm, out_hbm, xr_v, idx_v, rows_v, out_v, b_v,
             sem0, sem1, sem2, sem3):
    sems = (sem0, sem1, sem2, sem3)
    wid = lax.axis_index("s") * NC + lax.axis_index("c")
    base = wid * BPW

    pltpu.sync_copy(x_hbm.at[pl.ds(base, BPW)], xr_v)
    pltpu.sync_copy(b_hbm, b_v.at[pl.ds(0, 1)])

    def shift(c, carry):
        off = pl.multiple_of(c * 16, 16)
        idx_v[pl.ds(off, 16)] = lax.shift_right_logical(
            xr_v[pl.ds(off, 16)], 7
        )
        return carry

    lax.fori_loop(0, NCH, shift, 0)

    copies = [
        pltpu.async_copy(
            tv_hbm.at[idx_v.at[pl.ds(j * IDX_MINOR, IDX_MINOR)]],
            rows_v.at[pl.ds(j * IDX_MINOR, IDX_MINOR)],
            sems[j % 4],
        )
        for j in range(NJ)
    ]
    bias = _splat(b_v[pl.ds(0, 16)], 0)
    lane_iota = lax.iota(jnp.int32, 16)

    def select(c, carry):
        coff = pl.multiple_of(c * 16, 16)
        xm = xr_v[pl.ds(coff, 16)] & 127
        woff_vec = jnp.minimum(xm & ~jnp.int32(7), 112)
        lane_vec = xm - woff_vec

        res = bias
        for j in range(16):
            woff = pl.multiple_of(woff_vec[j], 8)
            vals = rows_v[coff + j, pl.ds(woff, 16)]
            g = _splat(vals, lane_vec[j])
            res = jnp.where(lane_iota == j, g, res)
        out_v[pl.ds(coff, 16)] = 1.0 / (1.0 + jnp.exp(-(res + bias)))
        return carry

    for c in copies:
        c.wait()
    lax.fori_loop(0, NCH, select, 0)

    pltpu.sync_copy(out_v, out_hbm.at[pl.ds(base, BPW)])


@jax.jit
def _run(x1, tableT, wt, b1):
    tv = pl.pallas_call(
        _tv_body,
        grid=(A_GRID,),
        in_specs=[
            pl.BlockSpec((1, DIM), lambda j: (0, 0)),
            pl.BlockSpec((DIM, A_BLK), lambda j: (0, j)),
        ],
        out_specs=pl.BlockSpec((A_BLK,), lambda j: (j,)),
        out_shape=jax.ShapeDtypeStruct((TV_PAD,), jnp.float32),
    )(wt, tableT)
    tv2 = tv.reshape(TVR, 128)

    mesh = plsc.VectorSubcoreMesh(core_axis_name="c", subcore_axis_name="s")
    fused = functools.partial(
        pl.kernel,
        mesh=mesh,
        out_type=jax.ShapeDtypeStruct((BATCH,), jnp.float32),
        scratch_types=[
            pltpu.VMEM((BPW,), jnp.int32),
            pltpu.VMEM((BPW,), jnp.int32),
            pltpu.VMEM((BPW, 128), jnp.float32),
            pltpu.VMEM((BPW,), jnp.float32),
            pltpu.VMEM((16,), jnp.float32),
            pltpu.SemaphoreType.DMA,
            pltpu.SemaphoreType.DMA,
            pltpu.SemaphoreType.DMA,
            pltpu.SemaphoreType.DMA,
        ],
    )(_sc_body)
    return fused(x1, tv2, b1)


def kernel(x, table, W, b):
    x1 = x.astype(jnp.int32)
    wt = W.reshape(1, DIM)
    return _run(x1, table.T, wt, b.reshape(1)).reshape(BATCH, 1)

# --- scband reference (transcript-rebuilt; emitter-appended) ---
"""Pipeline reference for scband-embedding-model-8332236554296 (READ-ONLY COPY).

The authoritative reference and input builder live on the scoring server;
editing this copy changes nothing except your own understanding.
"""

import jax, jax.numpy as jnp
import numpy as np

NUM_EMBEDDINGS = 1000000
EMBEDDING_DIM = 32
BATCH = 16384


def setup_inputs(seed: int = 0) -> dict:
    key = jax.random.key(seed)
    k_idx, k_tab, k_w, k_b = jax.random.split(key, 4)
    x = jax.random.randint(k_idx, (BATCH,), 0, NUM_EMBEDDINGS, dtype=jnp.int64 if jax.config.jax_enable_x64 else jnp.int32)
    table = jax.random.normal(k_tab, (NUM_EMBEDDINGS, EMBEDDING_DIM), dtype=jnp.float32)
    # nn.Linear default init: U(-1/sqrt(fan_in), 1/sqrt(fan_in))
    bound = 1.0 / np.sqrt(EMBEDDING_DIM)
    W = jax.random.uniform(k_w, (EMBEDDING_DIM, 1), dtype=jnp.float32, minval=-bound, maxval=bound)
    b = jax.random.uniform(k_b, (1,), dtype=jnp.float32, minval=-bound, maxval=bound)
    return {"x": x, "table": table, "W": W, "b": b}


def reference(x, table, W, b):
    # embedding lookup (gather)
    emb = jnp.take(table, x, axis=0)          # [B, embed_dim]
    # nn.Flatten: [B, embed_dim] stays [B, embed_dim]
    flat = emb.reshape(emb.shape[0], -1)
    # linear + sigmoid
    out = flat @ W + b                        # [B, 1]
    return jax.nn.sigmoid(out)

if __name__ == "__main__":
    import jax
    _d = setup_inputs()
    print(jax.jit(kernel)(*tuple(_d.values())))

</pallas_src>

<mosaic_0001>
#map = affine_map<(d0, d1) -> (0)>
#map1 = affine_map<(d0, d1) -> (0, 0)>
module attributes {stable_mosaic.version = 14 : i64} {
  func.func @_sc_body(%arg0: i32, %arg1: i32, %arg2: memref<16384xi32, #tpu.memory_space<hbm>>, %arg3: memref<8192x128xf32, #tpu.memory_space<hbm>>, %arg4: memref<1xf32, #tpu.memory_space<hbm>>, %arg5: memref<16384xf32, #tpu.memory_space<hbm>>, %arg6: memref<512xi32, #tpu.memory_space<vmem>>, %arg7: memref<512xi32, #tpu.memory_space<vmem>>, %arg8: memref<512x128xf32, #tpu.memory_space<vmem>>, %arg9: memref<512xf32, #tpu.memory_space<vmem>>, %arg10: memref<16xf32, #tpu.memory_space<vmem>>, %arg11: memref<!tpu.dma_semaphore, #tpu.memory_space<semaphore_mem>>, %arg12: memref<!tpu.dma_semaphore, #tpu.memory_space<semaphore_mem>>, %arg13: memref<!tpu.dma_semaphore, #tpu.memory_space<semaphore_mem>>, %arg14: memref<!tpu.dma_semaphore, #tpu.memory_space<semaphore_mem>>) attributes {dimension_semantics = [#tpu.dimension_semantics<core_parallel>, #tpu.dimension_semantics<subcore_parallel>], iteration_bounds = array<i64: 2, 16>, scalar_prefetch = 0 : i64, scratch_operands = 9 : i64, tpu.core_type = #tpu.core_type<sc_vector_subcore>, window_params = [{transform_indices = #map}, {transform_indices = #map1}, {transform_indices = #map}, {transform_indices = #map}]} {
    %mul3A = arith.constant 2 : i32
    %mul3A_0 = arith.muli %arg1, %mul3A : i32
    %add3A = arith.addi %mul3A_0, %arg0 : i32
    %mul3A_1 = arith.constant 512 : i32
    %mul3A_2 = arith.muli %add3A, %mul3A_1 : i32
    "tpu.region"() ({
      %run_scoped3A = tpu.sem_alloc : memref<!tpu.dma_semaphore, #tpu.memory_space<semaphore_mem>>
      %dma_start3A_144 = tpu.memref_slice %arg2[%mul3A_2] : memref<16384xi32, #tpu.memory_space<hbm>> -> memref<512xi32, #tpu.memory_space<hbm>>
      %dma_start3A_145 = tpu.memref_slice %arg2[%mul3A_2] : memref<16384xi32, #tpu.memory_space<hbm>> -> memref<512xi32, #tpu.memory_space<hbm>>
      tpu.enqueue_dma source(%dma_start3A_145 : memref<512xi32, #tpu.memory_space<hbm>>) target(%arg6 : memref<512xi32, #tpu.memory_space<vmem>>) target_semaphore(%run_scoped3A : memref<!tpu.dma_semaphore, #tpu.memory_space<semaphore_mem>>)
      %dma_wait3A_146 = tpu.memref_slice %arg2[%mul3A_2] : memref<16384xi32, #tpu.memory_space<hbm>> -> memref<512xi32, #tpu.memory_space<hbm>>
      %dma_wait3A_147 = tpu.memref_slice %arg2[%mul3A_2] : memref<16384xi32, #tpu.memory_space<hbm>> -> memref<512xi32, #tpu.memory_space<hbm>>
      tpu.wait_dma2 semaphore(%run_scoped3A : memref<!tpu.dma_semaphore, #tpu.memory_space<semaphore_mem>>) src(%dma_wait3A_147 : memref<512xi32, #tpu.memory_space<hbm>>) dst(%arg6 : memref<512xi32, #tpu.memory_space<vmem>>)
      tpu.yield
    }) : () -> ()
    "tpu.region"() ({
      %run_scoped3A = tpu.sem_alloc : memref<!tpu.dma_semaphore, #tpu.memory_space<semaphore_mem>>
      %dma_start3A_144 = arith.constant 0 : i32
      %dma_start3A_145 = tpu.memref_slice %arg10[%dma_start3A_144] : memref<16xf32, #tpu.memory_space<vmem>> -> memref<1xf32, #tpu.memory_space<vmem>>
      %dma_start3A_146 = arith.constant 0 : i32
      %dma_start3A_147 = tpu.memref_slice %arg10[%dma_start3A_146] : memref<16xf32, #tpu.memory_space<vmem>> -> memref<1xf32, #tpu.memory_space<vmem>>
      tpu.enqueue_dma source(%arg4 : memref<1xf32, #tpu.memory_space<hbm>>) target(%dma_start3A_147 : memref<1xf32, #tpu.memory_space<vmem>>) target_semaphore(%run_scoped3A : memref<!tpu.dma_semaphore, #tpu.memory_space<semaphore_mem>>)
      %dma_wait3A_148 = arith.constant 0 : i32
      %dma_wait3A_149 = tpu.memref_slice %arg10[%dma_wait3A_148] : memref<16xf32, #tpu.memory_space<vmem>> -> memref<1xf32, #tpu.memory_space<vmem>>
      %dma_wait3A_150 = arith.constant 0 : i32
      %dma_wait3A_151 = tpu.memref_slice %arg10[%dma_wait3A_150] : memref<16xf32, #tpu.memory_space<vmem>> -> memref<1xf32, #tpu.memory_space<vmem>>
      tpu.wait_dma2 semaphore(%run_scoped3A : memref<!tpu.dma_semaphore, #tpu.memory_space<semaphore_mem>>) src(%arg4 : memref<1xf32, #tpu.memory_space<hbm>>) dst(%dma_wait3A_151 : memref<1xf32, #tpu.memory_space<vmem>>)
      tpu.yield
    }) : () -> ()
    %scan3A = arith.constant 0 : i32
    %scan3A_3 = arith.constant 0 : i32
    %scan3A_4 = arith.constant 32 : i32
    %scan3A_5 = arith.addi %scan3A_3, %scan3A_4 : i32
    %scan3A_6 = arith.constant 1 : i32
    scf.for %scan3A_144 = %scan3A_3 to %scan3A_5 step %scan3A_6  : i32 {
      %mul3A_145 = arith.constant 16 : i32
      %mul3A_146 = arith.muli %scan3A_144, %mul3A_145 : i32
      %multiple_of3A = tpu.assume_multiple %mul3A_146, 16 : i32
      %get3A_147 = arith.index_cast %multiple_of3A : i32 to index
      %get3A_148 = tpu.vector_load %arg6[%get3A_147] {strides = array<i32>} : memref<512xi32, #tpu.memory_space<vmem>>, vector<16xi32>,
      %get3A_149 = vector.shape_cast %get3A_148 : vector<16xi32> to vector<16xi32>
      %shift_right_logical3A = arith.constant 7 : i32
      %shift_right_logical3A_150 = vector.broadcast %shift_right_logical3A : i32 to vector<16xi32>
      %shift_right_logical3A_151 = arith.shrui %get3A_149, %shift_right_logical3A_150 : vector<16xi32>
      %swap3A = arith.index_cast %multiple_of3A : i32 to index
      %swap3A_152 = tpu.vector_load %arg7[%swap3A] {strides = array<i32>} : memref<512xi32, #tpu.memory_space<vmem>>, vector<16xi32>,
      %swap3A_153 = vector.shape_cast %swap3A_152 : vector<16xi32> to vector<16xi32>
      %swap3A_154 = vector.shape_cast %shift_right_logical3A_151 : vector<16xi32> to vector<16xi32>
      tpu.vector_store %arg7[%swap3A], %swap3A_154 {strides = array<i32>} : memref<512xi32, #tpu.memory_space<vmem>>, vector<16xi32>,
    }
    %scan3A_7 = arith.constant 32 : i32
    %dma_start3A = arith.constant 0 : i32
    %dma_start3A_8 = arith.constant 0 : i32
    %dma_start3A_9 = tpu.memref_slice %arg8[%dma_start3A, %dma_start3A_8] : memref<512x128xf32, #tpu.memory_space<vmem>> -> memref<64x128xf32, #tpu.memory_space<vmem>>
    %dma_start3A_10 = arith.constant 0 : i32
    %dma_start3A_11 = tpu.memref_slice %arg7[%dma_start3A_10] : memref<512xi32, #tpu.memory_space<vmem>> -> memref<64xi32, #tpu.memory_space<vmem>>
    %dma_start3A_12 = arith.constant 0 : i32
    %dma_start3A_13 = arith.constant 0 : i32
    %dma_start3A_14 = tpu.memref_slice %arg3[%dma_start3A_12, %dma_start3A_13] : memref<8192x128xf32, #tpu.memory_space<hbm>> -> memref<8192x128xf32, #tpu.memory_space<hbm>>
    tpu.enqueue_indirect_dma source(%dma_start3A_14 : memref<8192x128xf32, #tpu.memory_space<hbm>>) target(%dma_start3A_9 : memref<64x128xf32, #tpu.memory_space<vmem>>) offsets(%dma_start3A_11 : memref<64xi32, #tpu.memory_space<vmem>>) semaphore(%arg11 : memref<!tpu.dma_semaphore, #tpu.memory_space<semaphore_mem>>)
    %dma_start3A_15 = arith.constant 64 : i32
    %dma_start3A_16 = arith.constant 0 : i32
    %dma_start3A_17 = tpu.memref_slice %arg8[%dma_start3A_15, %dma_start3A_16] : memref<512x128xf32, #tpu.memory_space<vmem>> -> memref<64x128xf32, #tpu.memory_space<vmem>>
    %dma_start3A_18 = arith.constant 64 : i32
    %dma_start3A_19 = tpu.memref_slice %arg7[%dma_start3A_18] : memref<512xi32, #tpu.memory_space<vmem>> -> memref<64xi32, #tpu.memory_space<vmem>>
    %dma_start3A_20 = arith.constant 0 : i32
    %dma_start3A_21 = arith.constant 0 : i32
    %dma_start3A_22 = tpu.memref_slice %arg3[%dma_start3A_20, %dma_start3A_21] : memref<8192x128xf32, #tpu.memory_space<hbm>> -> memref<8192x128xf32, #tpu.memory_space<hbm>>
    tpu.enqueue_indirect_dma source(%dma_start3A_22 : memref<8192x128xf32, #tpu.memory_space<hbm>>) target(%dma_start3A_17 : memref<64x128xf32, #tpu.memory_space<vmem>>) offsets(%dma_start3A_19 : memref<64xi32, #tpu.memory_space<vmem>>) semaphore(%arg12 : memref<!tpu.dma_semaphore, #tpu.memory_space<semaphore_mem>>)
    %dma_start3A_23 = arith.constant 128 : i32
    %dma_start3A_24 = arith.constant 0 : i32
    %dma_start3A_25 = tpu.memref_slice %arg8[%dma_start3A_23, %dma_start3A_24] : memref<512x128xf32, #tpu.memory_space<vmem>> -> memref<64x128xf32, #tpu.memory_space<vmem>>
    %dma_start3A_26 = arith.constant 128 : i32
    %dma_start3A_27 = tpu.memref_slice %arg7[%dma_start3A_26] : memref<512xi32, #tpu.memory_space<vmem>> -> memref<64xi32, #tpu.memory_space<vmem>>
    %dma_start3A_28 = arith.constant 0 : i32
    %dma_start3A_29 = arith.constant 0 : i32
    %dma_start3A_30 = tpu.memref_slice %arg3[%dma_start3A_28, %dma_start3A_29] : memref<8192x128xf32, #tpu.memory_space<hbm>> -> memref<8192x128xf32, #tpu.memory_space<hbm>>
    tpu.enqueue_indirect_dma source(%dma_start3A_30 : memref<8192x128xf32, #tpu.memory_space<hbm>>) target(%dma_start3A_25 : memref<64x128xf32, #tpu.memory_space<vmem>>) offsets(%dma_start3A_27 : memref<64xi32, #tpu.memory_space<vmem>>) semaphore(%arg13 : memref<!tpu.dma_semaphore, #tpu.memory_space<semaphore_mem>>)
    %dma_start3A_31 = arith.constant 192 : i32
    %dma_start3A_32 = arith.constant 0 : i32
    %dma_start3A_33 = tpu.memref_slice %arg8[%dma_start3A_31, %dma_start3A_32] : memref<512x128xf32, #tpu.memory_space<vmem>> -> memref<64x128xf32, #tpu.memory_space<vmem>>
    %dma_start3A_34 = arith.constant 192 : i32
    %dma_start3A_35 = tpu.memref_slice %arg7[%dma_start3A_34] : memref<512xi32, #tpu.memory_space<vmem>> -> memref<64xi32, #tpu.memory_space<vmem>>
    %dma_start3A_36 = arith.constant 0 : i32
    %dma_start3A_37 = arith.constant 0 : i32
    %dma_start3A_38 = tpu.memref_slice %arg3[%dma_start3A_36, %dma_start3A_37] : memref<8192x128xf32, #tpu.memory_space<hbm>> -> memref<8192x128xf32, #tpu.memory_space<hbm>>
    tpu.enqueue_indirect_dma source(%dma_start3A_38 : memref<8192x128xf32, #tpu.memory_space<hbm>>) target(%dma_start3A_33 : memref<64x128xf32, #tpu.memory_space<vmem>>) offsets(%dma_start3A_35 : memref<64xi32, #tpu.memory_space<vmem>>) semaphore(%arg14 : memref<!tpu.dma_semaphore, #tpu.memory_space<semaphore_mem>>)
    %dma_start3A_39 = arith.constant 256 : i32
    %dma_start3A_40 = arith.constant 0 : i32
    %dma_start3A_41 = tpu.memref_slice %arg8[%dma_start3A_39, %dma_start3A_40] : memref<512x128xf32, #tpu.memory_space<vmem>> -> memref<64x128xf32, #tpu.memory_space<vmem>>
    %dma_start3A_42 = arith.constant 256 : i32
    %dma_start3A_43 = tpu.memref_slice %arg7[%dma_start3A_42] : memref<512xi32, #tpu.memory_space<vmem>> -> memref<64xi32, #tpu.memory_space<vmem>>
    %dma_start3A_44 = arith.constant 0 : i32
    %dma_start3A_45 = arith.constant 0 : i32
    %dma_start3A_46 = tpu.memref_slice %arg3[%dma_start3A_44, %dma_start3A_45] : memref<8192x128xf32, #tpu.memory_space<hbm>> -> memref<8192x128xf32, #tpu.memory_space<hbm>>
    tpu.enqueue_indirect_dma source(%dma_start3A_46 : memref<8192x128xf32, #tpu.memory_space<hbm>>) target(%dma_start3A_41 : memref<64x128xf32, #tpu.memory_space<vmem>>) offsets(%dma_start3A_43 : memref<64xi32, #tpu.memory_space<vmem>>) semaphore(%arg11 : memref<!tpu.dma_semaphore, #tpu.memory_space<semaphore_mem>>)
    %dma_start3A_47 = arith.constant 320 : i32
    %dma_start3A_48 = arith.constant 0 : i32
    %dma_start3A_49 = tpu.memref_slice %arg8[%dma_start3A_47, %dma_start3A_48] : memref<512x128xf32, #tpu.memory_space<vmem>> -> memref<64x128xf32, #tpu.memory_space<vmem>>
    %dma_start3A_50 = arith.constant 320 : i32
    %dma_start3A_51 = tpu.memref_slice %arg7[%dma_start3A_50] : memref<512xi32, #tpu.memory_space<vmem>> -> memref<64xi32, #tpu.memory_space<vmem>>
    %dma_start3A_52 = arith.constant 0 : i32
    %dma_start3A_53 = arith.constant 0 : i32
    %dma_start3A_54 = tpu.memref_slice %arg3[%dma_start3A_52, %dma_start3A_53] : memref<8192x128xf32, #tpu.memory_space<hbm>> -> memref<8192x128xf32, #tpu.memory_space<hbm>>
    tpu.enqueue_indirect_dma source(%dma_start3A_54 : memref<8192x128xf32, #tpu.memory_space<hbm>>) target(%dma_start3A_49 : memref<64x128xf32, #tpu.memory_space<vmem>>) offsets(%dma_start3A_51 : memref<64xi32, #tpu.memory_space<vmem>>) semaphore(%arg12 : memref<!tpu.dma_semaphore, #tpu.memory_space<semaphore_mem>>)
    %dma_start3A_55 = arith.constant 384 : i32
    %dma_start3A_56 = arith.constant 0 : i32
    %dma_start3A_57 = tpu.memref_slice %arg8[%dma_start3A_55, %dma_start3A_56] : memref<512x128xf32, #tpu.memory_space<vmem>> -> memref<64x128xf32, #tpu.memory_space<vmem>>
    %dma_start3A_58 = arith.constant 384 : i32
    %dma_start3A_59 = tpu.memref_slice %arg7[%dma_start3A_58] : memref<512xi32, #tpu.memory_space<vmem>> -> memref<64xi32, #tpu.memory_space<vmem>>
    %dma_start3A_60 = arith.constant 0 : i32
    %dma_start3A_61 = arith.constant 0 : i32
    %dma_start3A_62 = tpu.memref_slice %arg3[%dma_start3A_60, %dma_start3A_61] : memref<8192x128xf32, #tpu.memory_space<hbm>> -> memref<8192x128xf32, #tpu.memory_space<hbm>>
    tpu.enqueue_indirect_dma source(%dma_start3A_62 : memref<8192x128xf32, #tpu.memory_space<hbm>>) target(%dma_start3A_57 : memref<64x128xf32, #tpu.memory_space<vmem>>) offsets(%dma_start3A_59 : memref<64xi32, #tpu.memory_space<vmem>>) semaphore(%arg13 : memref<!tpu.dma_semaphore, #tpu.memory_space<semaphore_mem>>)
    %dma_start3A_63 = arith.constant 448 : i32
    %dma_start3A_64 = arith.constant 0 : i32
    %dma_start3A_65 = tpu.memref_slice %arg8[%dma_start3A_63, %dma_start3A_64] : memref<512x128xf32, #tpu.memory_space<vmem>> -> memref<64x128xf32, #tpu.memory_space<vmem>>
    %dma_start3A_66 = arith.constant 448 : i32
    %dma_start3A_67 = tpu.memref_slice %arg7[%dma_start3A_66] : memref<512xi32, #tpu.memory_space<vmem>> -> memref<64xi32, #tpu.memory_space<vmem>>
    %dma_start3A_68 = arith.constant 0 : i32
    %dma_start3A_69 = arith.constant 0 : i32
    %dma_start3A_70 = tpu.memref_slice %arg3[%dma_start3A_68, %dma_start3A_69] : memref<8192x128xf32, #tpu.memory_space<hbm>> -> memref<8192x128xf32, #tpu.memory_space<hbm>>
    tpu.enqueue_indirect_dma source(%dma_start3A_70 : memref<8192x128xf32, #tpu.memory_space<hbm>>) target(%dma_start3A_65 : memref<64x128xf32, #tpu.memory_space<vmem>>) offsets(%dma_start3A_67 : memref<64xi32, #tpu.memory_space<vmem>>) semaphore(%arg14 : memref<!tpu.dma_semaphore, #tpu.memory_space<semaphore_mem>>)
    %get3A = arith.constant 0 : index
    %get3A_71 = tpu.vector_load %arg10[%get3A] {strides = array<i32>} : memref<16xf32, #tpu.memory_space<vmem>>, vector<16xf32>,
    %get3A_72 = vector.shape_cast %get3A_71 : vector<16xf32> to vector<16xf32>
    %broadcast_in_dim3A = arith.constant 0 : i32
    %broadcast_in_dim3A_73 = vector.broadcast %broadcast_in_dim3A : i32 to vector<16x1xi32>
    %gather3A = vector.shape_cast %broadcast_in_dim3A_73 : vector<16x1xi32> to vector<16xi32>
    %gather3A_74 = tpu.dynamic_gather %get3A_72[%gather3A] in [0] : vector<16xf32>, vector<16xi32> -> vector<16xf32>
    %iota3A = tpu.iota {dimensions = array<i32: 0>} : vector<16xi32>
    %dma_wait3A = arith.constant 0 : i32
    %dma_wait3A_75 = arith.constant 0 : i32
    %dma_wait3A_76 = tpu.memref_slice %arg8[%dma_wait3A, %dma_wait3A_75] : memref<512x128xf32, #tpu.memory_space<vmem>> -> memref<64x128xf32, #tpu.memory_space<vmem>>
    %dma_wait3A_77 = arith.constant 0 : i32
    %dma_wait3A_78 = tpu.memref_slice %arg7[%dma_wait3A_77] : memref<512xi32, #tpu.memory_space<vmem>> -> memref<64xi32, #tpu.memory_space<vmem>>
    %dma_wait3A_79 = arith.constant 0 : i32
    %dma_wait3A_80 = arith.constant 0 : i32
    %dma_wait3A_81 = tpu.memref_slice %arg3[%dma_wait3A_79, %dma_wait3A_80] : memref<8192x128xf32, #tpu.memory_space<hbm>> -> memref<8192x128xf32, #tpu.memory_space<hbm>>
    tpu.wait_indirect_dma semaphore(%arg11 : memref<!tpu.dma_semaphore, #tpu.memory_space<semaphore_mem>>) src(%dma_wait3A_81 : memref<8192x128xf32, #tpu.memory_space<hbm>>) dst(%dma_wait3A_76 : memref<64x128xf32, #tpu.memory_space<vmem>>)
    %dma_wait3A_82 = arith.constant 64 : i32
    %dma_wait3A_83 = arith.constant 0 : i32
    %dma_wait3A_84 = tpu.memref_slice %arg8[%dma_wait3A_82, %dma_wait3A_83] : memref<512x128xf32, #tpu.memory_space<vmem>> -> memref<64x128xf32, #tpu.memory_space<vmem>>
    %dma_wait3A_85 = arith.constant 64 : i32
    %dma_wait3A_86 = tpu.memref_slice %arg7[%dma_wait3A_85] : memref<512xi32, #tpu.memory_space<vmem>> -> memref<64xi32, #tpu.memory_space<vmem>>
    %dma_wait3A_87 = arith.constant 0 : i32
    %dma_wait3A_88 = arith.constant 0 : i32
    %dma_wait3A_89 = tpu.memref_slice %arg3[%dma_wait3A_87, %dma_wait3A_88] : memref<8192x128xf32, #tpu.memory_space<hbm>> -> memref<8192x128xf32, #tpu.memory_space<hbm>>
    tpu.wait_indirect_dma semaphore(%arg12 : memref<!tpu.dma_semaphore, #tpu.memory_space<semaphore_mem>>) src(%dma_wait3A_89 : memref<8192x128xf32, #tpu.memory_space<hbm>>) dst(%dma_wait3A_84 : memref<64x128xf32, #tpu.memory_space<vmem>>)
    %dma_wait3A_90 = arith.constant 128 : i32
    %dma_wait3A_91 = arith.constant 0 : i32
    %dma_wait3A_92 = tpu.memref_slice %arg8[%dma_wait3A_90, %dma_wait3A_91] : memref<512x128xf32, #tpu.memory_space<vmem>> -> memref<64x128xf32, #tpu.memory_space<vmem>>
    %dma_wait3A_93 = arith.constant 128 : i32
    %dma_wait3A_94 = tpu.memref_slice %arg7[%dma_wait3A_93] : memref<512xi32, #tpu.memory_space<vmem>> -> memref<64xi32, #tpu.memory_space<vmem>>
    %dma_wait3A_95 = arith.constant 0 : i32
    %dma_wait3A_96 = arith.constant 0 : i32
    %dma_wait3A_97 = tpu.memref_slice %arg3[%dma_wait3A_95, %dma_wait3A_96] : memref<8192x128xf32, #tpu.memory_space<hbm>> -> memref<8192x128xf32, #tpu.memory_space<hbm>>
    tpu.wait_indirect_dma semaphore(%arg13 : memref<!tpu.dma_semaphore, #tpu.memory_space<semaphore_mem>>) src(%dma_wait3A_97 : memref<8192x128xf32, #tpu.memory_space<hbm>>) dst(%dma_wait3A_92 : memref<64x128xf32, #tpu.memory_space<vmem>>)
    %dma_wait3A_98 = arith.constant 192 : i32
    %dma_wait3A_99 = arith.constant 0 : i32
    %dma_wait3A_100 = tpu.memref_slice %arg8[%dma_wait3A_98, %dma_wait3A_99] : memref<512x128xf32, #tpu.memory_space<vmem>> -> memref<64x128xf32, #tpu.memory_space<vmem>>
    %dma_wait3A_101 = arith.constant 192 : i32
    %dma_wait3A_102 = tpu.memref_slice %arg7[%dma_wait3A_101] : memref<512xi32, #tpu.memory_space<vmem>> -> memref<64xi32, #tpu.memory_space<vmem>>
    %dma_wait3A_103 = arith.constant 0 : i32
    %dma_wait3A_104 = arith.constant 0 : i32
    %dma_wait3A_105 = tpu.memref_slice %arg3[%dma_wait3A_103, %dma_wait3A_104] : memref<8192x128xf32, #tpu.memory_space<hbm>> -> memref<8192x128xf32, #tpu.memory_space<hbm>>
    tpu.wait_indirect_dma semaphore(%arg14 : memref<!tpu.dma_semaphore, #tpu.memory_space<semaphore_mem>>) src(%dma_wait3A_105 : memref<8192x128xf32, #tpu.memory_space<hbm>>) dst(%dma_wait3A_100 : memref<64x128xf32, #tpu.memory_space<vmem>>)
    %dma_wait3A_106 = arith.constant 256 : i32
    %dma_wait3A_107 = arith.constant 0 : i32
    %dma_wait3A_108 = tpu.memref_slice %arg8[%dma_wait3A_106, %dma_wait3A_107] : memref<512x128xf32, #tpu.memory_space<vmem>> -> memref<64x128xf32, #tpu.memory_space<vmem>>
    %dma_wait3A_109 = arith.constant 256 : i32
    %dma_wait3A_110 = tpu.memref_slice %arg7[%dma_wait3A_109] : memref<512xi32, #tpu.memory_space<vmem>> -> memref<64xi32, #tpu.memory_space<vmem>>
    %dma_wait3A_111 = arith.constant 0 : i32
    %dma_wait3A_112 = arith.constant 0 : i32
    %dma_wait3A_113 = tpu.memref_slice %arg3[%dma_wait3A_111, %dma_wait3A_112] : memref<8192x128xf32, #tpu.memory_space<hbm>> -> memref<8192x128xf32, #tpu.memory_space<hbm>>
    tpu.wait_indirect_dma semaphore(%arg11 : memref<!tpu.dma_semaphore, #tpu.memory_space<semaphore_mem>>) src(%dma_wait3A_113 : memref<8192x128xf32, #tpu.memory_space<hbm>>) dst(%dma_wait3A_108 : memref<64x128xf32, #tpu.memory_space<vmem>>)
    %dma_wait3A_114 = arith.constant 320 : i32
    %dma_wait3A_115 = arith.constant 0 : i32
    %dma_wait3A_116 = tpu.memref_slice %arg8[%dma_wait3A_114, %dma_wait3A_115] : memref<512x128xf32, #tpu.memory_space<vmem>> -> memref<64x128xf32, #tpu.memory_space<vmem>>
    %dma_wait3A_117 = arith.constant 320 : i32
    %dma_wait3A_118 = tpu.memref_slice %arg7[%dma_wait3A_117] : memref<512xi32, #tpu.memory_space<vmem>> -> memref<64xi32, #tpu.memory_space<vmem>>
    %dma_wait3A_119 = arith.constant 0 : i32
    %dma_wait3A_120 = arith.constant 0 : i32
    %dma_wait3A_121 = tpu.memref_slice %arg3[%dma_wait3A_119, %dma_wait3A_120] : memref<8192x128xf32, #tpu.memory_space<hbm>> -> memref<8192x128xf32, #tpu.memory_space<hbm>>
    tpu.wait_indirect_dma semaphore(%arg12 : memref<!tpu.dma_semaphore, #tpu.memory_space<semaphore_mem>>) src(%dma_wait3A_121 : memref<8192x128xf32, #tpu.memory_space<hbm>>) dst(%dma_wait3A_116 : memref<64x128xf32, #tpu.memory_space<vmem>>)
    %dma_wait3A_122 = arith.constant 384 : i32
    %dma_wait3A_123 = arith.constant 0 : i32
    %dma_wait3A_124 = tpu.memref_slice %arg8[%dma_wait3A_122, %dma_wait3A_123] : memref<512x128xf32, #tpu.memory_space<vmem>> -> memref<64x128xf32, #tpu.memory_space<vmem>>
    %dma_wait3A_125 = arith.constant 384 : i32
    %dma_wait3A_126 = tpu.memref_slice %arg7[%dma_wait3A_125] : memref<512xi32, #tpu.memory_space<vmem>> -> memref<64xi32, #tpu.memory_space<vmem>>
    %dma_wait3A_127 = arith.constant 0 : i32
    %dma_wait3A_128 = arith.constant 0 : i32
    %dma_wait3A_129 = tpu.memref_slice %arg3[%dma_wait3A_127, %dma_wait3A_128] : memref<8192x128xf32, #tpu.memory_space<hbm>> -> memref<8192x128xf32, #tpu.memory_space<hbm>>
    tpu.wait_indirect_dma semaphore(%arg13 : memref<!tpu.dma_semaphore, #tpu.memory_space<semaphore_mem>>) src(%dma_wait3A_129 : memref<8192x128xf32, #tpu.memory_space<hbm>>) dst(%dma_wait3A_124 : memref<64x128xf32, #tpu.memory_space<vmem>>)
    %dma_wait3A_130 = arith.constant 448 : i32
    %dma_wait3A_131 = arith.constant 0 : i32
    %dma_wait3A_132 = tpu.memref_slice %arg8[%dma_wait3A_130, %dma_wait3A_131] : memref<512x128xf32, #tpu.memory_space<vmem>> -> memref<64x128xf32, #tpu.memory_space<vmem>>
    %dma_wait3A_133 = arith.constant 448 : i32
    %dma_wait3A_134 = tpu.memref_slice %arg7[%dma_wait3A_133] : memref<512xi32, #tpu.memory_space<vmem>> -> memref<64xi32, #tpu.memory_space<vmem>>
    %dma_wait3A_135 = arith.constant 0 : i32
    %dma_wait3A_136 = arith.constant 0 : i32
    %dma_wait3A_137 = tpu.memref_slice %arg3[%dma_wait3A_135, %dma_wait3A_136] : memref<8192x128xf32, #tpu.memory_space<hbm>> -> memref<8192x128xf32, #tpu.memory_space<hbm>>
    tpu.wait_indirect_dma semaphore(%arg14 : memref<!tpu.dma_semaphore, #tpu.memory_space<semaphore_mem>>) src(%dma_wait3A_137 : memref<8192x128xf32, #tpu.memory_space<hbm>>) dst(%dma_wait3A_132 : memref<64x128xf32, #tpu.memory_space<vmem>>)
    %scan3A_138 = arith.constant 0 : i32
    %scan3A_139 = arith.constant 0 : i32
    %scan3A_140 = arith.constant 32 : i32
    %scan3A_141 = arith.addi %scan3A_139, %scan3A_140 : i32
    %scan3A_142 = arith.constant 1 : i32
    scf.for %scan3A_144 = %scan3A_139 to %scan3A_141 step %scan3A_142  : i32 {
      %mul3A_145 = arith.constant 16 : i32
      %mul3A_146 = arith.muli %scan3A_144, %mul3A_145 : i32
      %multiple_of3A = tpu.assume_multiple %mul3A_146, 16 : i32
      %get3A_147 = arith.index_cast %multiple_of3A : i32 to index
      %get3A_148 = tpu.vector_load %arg6[%get3A_147] {strides = array<i32>} : memref<512xi32, #tpu.memory_space<vmem>>, vector<16xi32>,
      %get3A_149 = vector.shape_cast %get3A_148 : vector<16xi32> to vector<16xi32>
      %and3A = arith.constant 127 : i32
      %and3A_150 = vector.broadcast %and3A : i32 to vector<16xi32>
      %and3A_151 = arith.andi %get3A_149, %and3A_150 : vector<16xi32>
      %not3A = arith.constant 7 : i32
      %not3A_152 = arith.constant -1 : i32
      %not3A_153 = arith.xori %not3A, %not3A_152 : i32
      %and3A_154 = vector.broadcast %not3A_153 : i32 to vector<16xi32>
      %and3A_155 = arith.andi %and3A_151, %and3A_154 : vector<16xi32>
      %min3A = arith.constant 112 : i32
      %min3A_156 = vector.broadcast %min3A : i32 to vector<16xi32>
      %min3A_157 = arith.minsi %and3A_155, %min3A_156 : vector<16xi32>
      %sub3A = arith.subi %and3A_151, %min3A_157 : vector<16xi32>
      %slice3A = vector.extract_strided_slice %min3A_157 {offsets = [0], sizes = [1], strides = [1]} : vector<16xi32> to vector<1xi32>
      %squeeze3A = vector.extract %slice3A[0] : i32 from vector<1xi32>
      %multiple_of3A_158 = tpu.assume_multiple %squeeze3A, 8 : i32
      %add3A_159 = arith.constant 0 : i32
      %add3A_160 = arith.addi %multiple_of3A, %add3A_159 : i32
      %get3A_161 = arith.index_cast %add3A_160 : i32 to index
      %get3A_162 = arith.index_cast %multiple_of3A_158 : i32 to index
      %get3A_163 = tpu.vector_load %arg8[%get3A_161, %get3A_162] {strides = array<i32>} : memref<512x128xf32, #tpu.memory_space<vmem>>, vector<1x16xf32>,
      %get3A_164 = vector.shape_cast %get3A_163 : vector<1x16xf32> to vector<16xf32>
      %slice3A_165 = vector.extract_strided_slice %sub3A {offsets = [0], sizes = [1], strides = [1]} : vector<16xi32> to vector<1xi32>
      %squeeze3A_166 = vector.extract %slice3A_165[0] : i32 from vector<1xi32>
      %broadcast_in_dim3A_167 = vector.broadcast %squeeze3A_166 : i32 to vector<16x1xi32>
      %gather3A_168 = vector.shape_cast %broadcast_in_dim3A_167 : vector<16x1xi32> to vector<16xi32>
      %gather3A_169 = tpu.dynamic_gather %get3A_164[%gather3A_168] in [0] : vector<16xf32>, vector<16xi32> -> vector<16xf32>
      %eq3A = arith.constant 0 : i32
      %eq3A_170 = vector.broadcast %eq3A : i32 to vector<16xi32>
      %eq3A_171 = arith.cmpi eq, %iota3A, %eq3A_170 : vector<16xi32>
      %select_n3A = arith.select %eq3A_171, %gather3A_169, %gather3A_74 : vector<16xi1>, vector<16xf32>
      %slice3A_172 = vector.extract_strided_slice %min3A_157 {offsets = [1], sizes = [1], strides = [1]} : vector<16xi32> to vector<1xi32>
      %squeeze3A_173 = vector.extract %slice3A_172[0] : i32 from vector<1xi32>
      %multiple_of3A_174 = tpu.assume_multiple %squeeze3A_173, 8 : i32
      %add3A_175 = arith.constant 1 : i32
      %add3A_176 = arith.addi %multiple_of3A, %add3A_175 : i32
      %get3A_177 = arith.index_cast %add3A_176 : i32 to index
      %get3A_178 = arith.index_cast %multiple_of3A_174 : i32 to index
      %get3A_179 = tpu.vector_load %arg8[%get3A_177, %get3A_178] {strides = array<i32>} : memref<512x128xf32, #tpu.memory_space<vmem>>, vector<1x16xf32>,
      %get3A_180 = vector.shape_cast %get3A_179 : vector<1x16xf32> to vector<16xf32>
      %slice3A_181 = vector.extract_strided_slice %sub3A {offsets = [1], sizes = [1], strides = [1]} : vector<16xi32> to vector<1xi32>
      %squeeze3A_182 = vector.extract %slice3A_181[0] : i32 from vector<1xi32>
      %broadcast_in_dim3A_183 = vector.broadcast %squeeze3A_182 : i32 to vector<16x1xi32>
      %gather3A_184 = vector.shape_cast %broadcast_in_dim3A_183 : vector<16x1xi32> to vector<16xi32>
      %gather3A_185 = tpu.dynamic_gather %get3A_180[%gather3A_184] in [0] : vector<16xf32>, vector<16xi32> -> vector<16xf32>
      %eq3A_186 = arith.constant 1 : i32
      %eq3A_187 = vector.broadcast %eq3A_186 : i32 to vector<16xi32>
      %eq3A_188 = arith.cmpi eq, %iota3A, %eq3A_187 : vector<16xi32>
      %select_n3A_189 = arith.select %eq3A_188, %gather3A_185, %select_n3A : vector<16xi1>, vector<16xf32>
      %slice3A_190 = vector.extract_strided_slice %min3A_157 {offsets = [2], sizes = [1], strides = [1]} : vector<16xi32> to vector<1xi32>
      %squeeze3A_191 = vector.extract %slice3A_190[0] : i32 from vector<1xi32>
      %multiple_of3A_192 = tpu.assume_multiple %squeeze3A_191, 8 : i32
      %add3A_193 = arith.constant 2 : i32
      %add3A_194 = arith.addi %multiple_of3A, %add3A_193 : i32
      %get3A_195 = arith.index_cast %add3A_194 : i32 to index
      %get3A_196 = arith.index_cast %multiple_of3A_192 : i32 to index
      %get3A_197 = tpu.vector_load %arg8[%get3A_195, %get3A_196] {strides = array<i32>} : memref<512x128xf32, #tpu.memory_space<vmem>>, vector<1x16xf32>,
      %get3A_198 = vector.shape_cast %get3A_197 : vector<1x16xf32> to vector<16xf32>
      %slice3A_199 = vector.extract_strided_slice %sub3A {offsets = [2], sizes = [1], strides = [1]} : vector<16xi32> to vector<1xi32>
      %squeeze3A_200 = vector.extract %slice3A_199[0] : i32 from vector<1xi32>
      %broadcast_in_dim3A_201 = vector.broadcast %squeeze3A_200 : i32 to vector<16x1xi32>
      %gather3A_202 = vector.shape_cast %broadcast_in_dim3A_201 : vector<16x1xi32> to vector<16xi32>
      %gather3A_203 = tpu.dynamic_gather %get3A_198[%gather3A_202] in [0] : vector<16xf32>, vector<16xi32> -> vector<16xf32>
      %eq3A_204 = arith.constant 2 : i32
      %eq3A_205 = vector.broadcast %eq3A_204 : i32 to vector<16xi32>
      %eq3A_206 = arith.cmpi eq, %iota3A, %eq3A_205 : vector<16xi32>
      %select_n3A_207 = arith.select %eq3A_206, %gather3A_203, %select_n3A_189 : vector<16xi1>, vector<16xf32>
      %slice3A_208 = vector.extract_strided_slice %min3A_157 {offsets = [3], sizes = [1], strides = [1]} : vector<16xi32> to vector<1xi32>
      %squeeze3A_209 = vector.extract %slice3A_208[0] : i32 from vector<1xi32>
      %multiple_of3A_210 = tpu.assume_multiple %squeeze3A_209, 8 : i32
      %add3A_211 = arith.constant 3 : i32
      %add3A_212 = arith.addi %multiple_of3A, %add3A_211 : i32
      %get3A_213 = arith.index_cast %add3A_212 : i32 to index
      %get3A_214 = arith.index_cast %multiple_of3A_210 : i32 to index
      %get3A_215 = tpu.vector_load %arg8[%get3A_213, %get3A_214] {strides = array<i32>} : memref<512x128xf32, #tpu.memory_space<vmem>>, vector<1x16xf32>,
      %get3A_216 = vector.shape_cast %get3A_215 : vector<1x16xf32> to vector<16xf32>
      %slice3A_217 = vector.extract_strided_slice %sub3A {offsets = [3], sizes = [1], strides = [1]} : vector<16xi32> to vector<1xi32>
      %squeeze3A_218 = vector.extract %slice3A_217[0] : i32 from vector<1xi32>
      %broadcast_in_dim3A_219 = vector.broadcast %squeeze3A_218 : i32 to vector<16x1xi32>
      %gather3A_220 = vector.shape_cast %broadcast_in_dim3A_219 : vector<16x1xi32> to vector<16xi32>
      %gather3A_221 = tpu.dynamic_gather %get3A_216[%gather3A_220] in [0] : vector<16xf32>, vector<16xi32> -> vector<16xf32>
      %eq3A_222 = arith.constant 3 : i32
      %eq3A_223 = vector.broadcast %eq3A_222 : i32 to vector<16xi32>
      %eq3A_224 = arith.cmpi eq, %iota3A, %eq3A_223 : vector<16xi32>
      %select_n3A_225 = arith.select %eq3A_224, %gather3A_221, %select_n3A_207 : vector<16xi1>, vector<16xf32>
      %slice3A_226 = vector.extract_strided_slice %min3A_157 {offsets = [4], sizes = [1], strides = [1]} : vector<16xi32> to vector<1xi32>
      %squeeze3A_227 = vector.extract %slice3A_226[0] : i32 from vector<1xi32>
      %multiple_of3A_228 = tpu.assume_multiple %squeeze3A_227, 8 : i32
      %add3A_229 = arith.constant 4 : i32
      %add3A_230 = arith.addi %multiple_of3A, %add3A_229 : i32
      %get3A_231 = arith.index_cast %add3A_230 : i32 to index
      %get3A_232 = arith.index_cast %multiple_of3A_228 : i32 to index
      %get3A_233 = tpu.vector_load %arg8[%get3A_231, %get3A_232] {strides = array<i32>} : memref<512x128xf32, #tpu.memory_space<vmem>>, vector<1x16xf32>,
      %get3A_234 = vector.shape_cast %get3A_233 : vector<1x16xf32> to vector<16xf32>
      %slice3A_235 = vector.extract_strided_slice %sub3A {offsets = [4], sizes = [1], strides = [1]} : vector<16xi32> to vector<1xi32>
      %squeeze3A_236 = vector.extract %slice3A_235[0] : i32 from vector<1xi32>
      %broadcast_in_dim3A_237 = vector.broadcast %squeeze3A_236 : i32 to vector<16x1xi32>
      %gather3A_238 = vector.shape_cast %broadcast_in_dim3A_237 : vector<16x1xi32> to vector<16xi32>
      %gather3A_239 = tpu.dynamic_gather %get3A_234[%gather3A_238] in [0] : vector<16xf32>, vector<16xi32> -> vector<16xf32>
      %eq3A_240 = arith.constant 4 : i32
      %eq3A_241 = vector.broadcast %eq3A_240 : i32 to vector<16xi32>
      %eq3A_242 = arith.cmpi eq, %iota3A, %eq3A_241 : vector<16xi32>
      %select_n3A_243 = arith.select %eq3A_242, %gather3A_239, %select_n3A_225 : vector<16xi1>, vector<16xf32>
      %slice3A_244 = vector.extract_strided_slice %min3A_157 {offsets = [5], sizes = [1], strides = [1]} : vector<16xi32> to vector<1xi32>
      %squeeze3A_245 = vector.extract %slice3A_244[0] : i32 from vector<1xi32>
      %multiple_of3A_246 = tpu.assume_multiple %squeeze3A_245, 8 : i32
      %add3A_247 = arith.constant 5 : i32
      %add3A_248 = arith.addi %multiple_of3A, %add3A_247 : i32
      %get3A_249 = arith.index_cast %add3A_248 : i32 to index
      %get3A_250 = arith.index_cast %multiple_of3A_246 : i32 to index
      %get3A_251 = tpu.vector_load %arg8[%get3A_249, %get3A_250] {strides = array<i32>} : memref<512x128xf32, #tpu.memory_space<vmem>>, vector<1x16xf32>,
      %get3A_252 = vector.shape_cast %get3A_251 : vector<1x16xf32> to vector<16xf32>
      %slice3A_253 = vector.extract_strided_slice %sub3A {offsets = [5], sizes = [1], strides = [1]} : vector<16xi32> to vector<1xi32>
      %squeeze3A_254 = vector.extract %slice3A_253[0] : i32 from vector<1xi32>
      %broadcast_in_dim3A_255 = vector.broadcast %squeeze3A_254 : i32 to vector<16x1xi32>
      %gather3A_256 = vector.shape_cast %broadcast_in_dim3A_255 : vector<16x1xi32> to vector<16xi32>
      %gather3A_257 = tpu.dynamic_gather %get3A_252[%gather3A_256] in [0] : vector<16xf32>, vector<16xi32> -> vector<16xf32>
      %eq3A_258 = arith.constant 5 : i32
      %eq3A_259 = vector.broadcast %eq3A_258 : i32 to vector<16xi32>
      %eq3A_260 = arith.cmpi eq, %iota3A, %eq3A_259 : vector<16xi32>
      %select_n3A_261 = arith.select %eq3A_260, %gather3A_257, %select_n3A_243 : vector<16xi1>, vector<16xf32>
      %slice3A_262 = vector.extract_strided_slice %min3A_157 {offsets = [6], sizes = [1], strides = [1]} : vector<16xi32> to vector<1xi32>
      %squeeze3A_263 = vector.extract %slice3A_262[0] : i32 from vector<1xi32>
      %multiple_of3A_264 = tpu.assume_multiple %squeeze3A_263, 8 : i32
      %add3A_265 = arith.constant 6 : i32
      %add3A_266 = arith.addi %multiple_of3A, %add3A_265 : i32
      %get3A_267 = arith.index_cast %add3A_266 : i32 to index
      %get3A_268 = arith.index_cast %multiple_of3A_264 : i32 to index
      %get3A_269 = tpu.vector_load %arg8[%get3A_267, %get3A_268] {strides = array<i32>} : memref<512x128xf32, #tpu.memory_space<vmem>>, vector<1x16xf32>,
      %get3A_270 = vector.shape_cast %get3A_269 : vector<1x16xf32> to vector<16xf32>
      %slice3A_271 = vector.extract_strided_slice %sub3A {offsets = [6], sizes = [1], strides = [1]} : vector<16xi32> to vector<1xi32>
      %squeeze3A_272 = vector.extract %slice3A_271[0] : i32 from vector<1xi32>
      %broadcast_in_dim3A_273 = vector.broadcast %squeeze3A_272 : i32 to vector<16x1xi32>
      %gather3A_274 = vector.shape_cast %broadcast_in_dim3A_273 : vector<16x1xi32> to vector<16xi32>
      %gather3A_275 = tpu.dynamic_gather %get3A_270[%gather3A_274] in [0] : vector<16xf32>, vector<16xi32> -> vector<16xf32>
      %eq3A_276 = arith.constant 6 : i32
      %eq3A_277 = vector.broadcast %eq3A_276 : i32 to vector<16xi32>
      %eq3A_278 = arith.cmpi eq, %iota3A, %eq3A_277 : vector<16xi32>
      %select_n3A_279 = arith.select %eq3A_278, %gather3A_275, %select_n3A_261 : vector<16xi1>, vector<16xf32>
      %slice3A_280 = vector.extract_strided_slice %min3A_157 {offsets = [7], sizes = [1], strides = [1]} : vector<16xi32> to vector<1xi32>
      %squeeze3A_281 = vector.extract %slice3A_280[0] : i32 from vector<1xi32>
      %multiple_of3A_282 = tpu.assume_multiple %squeeze3A_281, 8 : i32
      %add3A_283 = arith.constant 7 : i32
      %add3A_284 = arith.addi %multiple_of3A, %add3A_283 : i32
      %get3A_285 = arith.index_cast %add3A_284 : i32 to index
      %get3A_286 = arith.index_cast %multiple_of3A_282 : i32 to index
      %get3A_287 = tpu.vector_load %arg8[%get3A_285, %get3A_286] {strides = array<i32>} : memref<512x128xf32, #tpu.memory_space<vmem>>, vector<1x16xf32>,
      %get3A_288 = vector.shape_cast %get3A_287 : vector<1x16xf32> to vector<16xf32>
      %slice3A_289 = vector.extract_strided_slice %sub3A {offsets = [7], sizes = [1], strides = [1]} : vector<16xi32> to vector<1xi32>
      %squeeze3A_290 = vector.extract %slice3A_289[0] : i32 from vector<1xi32>
      %broadcast_in_dim3A_291 = vector.broadcast %squeeze3A_290 : i32 to vector<16x1xi32>
      %gather3A_292 = vector.shape_cast %broadcast_in_dim3A_291 : vector<16x1xi32> to vector<16xi32>
      %gather3A_293 = tpu.dynamic_gather %get3A_288[%gather3A_292] in [0] : vector<16xf32>, vector<16xi32> -> vector<16xf32>
      %eq3A_294 = arith.constant 7 : i32
      %eq3A_295 = vector.broadcast %eq3A_294 : i32 to vector<16xi32>
      %eq3A_296 = arith.cmpi eq, %iota3A, %eq3A_295 : vector<16xi32>
      %select_n3A_297 = arith.select %eq3A_296, %gather3A_293, %select_n3A_279 : vector<16xi1>, vector<16xf32>
      %slice3A_298 = vector.extract_strided_slice %min3A_157 {offsets = [8], sizes = [1], strides = [1]} : vector<16xi32> to vector<1xi32>
      %squeeze3A_299 = vector.extract %slice3A_298[0] : i32 from vector<1xi32>
      %multiple_of3A_300 = tpu.assume_multiple %squeeze3A_299, 8 : i32
      %add3A_301 = arith.constant 8 : i32
      %add3A_302 = arith.addi %multiple_of3A, %add3A_301 : i32
      %get3A_303 = arith.index_cast %add3A_302 : i32 to index
      %get3A_304 = arith.index_cast %multiple_of3A_300 : i32 to index
      %get3A_305 = tpu.vector_load %arg8[%get3A_303, %get3A_304] {strides = array<i32>} : memref<512x128xf32, #tpu.memory_space<vmem>>, vector<1x16xf32>,
      %get3A_306 = vector.shape_cast %get3A_305 : vector<1x16xf32> to vector<16xf32>
      %slice3A_307 = vector.extract_strided_slice %sub3A {offsets = [8], sizes = [1], strides = [1]} : vector<16xi32> to vector<1xi32>
      %squeeze3A_308 = vector.extract %slice3A_307[0] : i32 from vector<1xi32>
      %broadcast_in_dim3A_309 = vector.broadcast %squeeze3A_308 : i32 to vector<16x1xi32>
      %gather3A_310 = vector.shape_cast %broadcast_in_dim3A_309 : vector<16x1xi32> to vector<16xi32>
      %gather3A_311 = tpu.dynamic_gather %get3A_306[%gather3A_310] in [0] : vector<16xf32>, vector<16xi32> -> vector<16xf32>
      %eq3A_312 = arith.constant 8 : i32
      %eq3A_313 = vector.broadcast %eq3A_312 : i32 to vector<16xi32>
      %eq3A_314 = arith.cmpi eq, %iota3A, %eq3A_313 : vector<16xi32>
      %select_n3A_315 = arith.select %eq3A_314, %gather3A_311, %select_n3A_297 : vector<16xi1>, vector<16xf32>
      %slice3A_316 = vector.extract_strided_slice %min3A_157 {offsets = [9], sizes = [1], strides = [1]} : vector<16xi32> to vector<1xi32>
      %squeeze3A_317 = vector.extract %slice3A_316[0] : i32 from vector<1xi32>
      %multiple_of3A_318 = tpu.assume_multiple %squeeze3A_317, 8 : i32
      %add3A_319 = arith.constant 9 : i32
      %add3A_320 = arith.addi %multiple_of3A, %add3A_319 : i32
      %get3A_321 = arith.index_cast %add3A_320 : i32 to index
      %get3A_322 = arith.index_cast %multiple_of3A_318 : i32 to index
      %get3A_323 = tpu.vector_load %arg8[%get3A_321, %get3A_322] {strides = array<i32>} : memref<512x128xf32, #tpu.memory_space<vmem>>, vector<1x16xf32>,
      %get3A_324 = vector.shape_cast %get3A_323 : vector<1x16xf32> to vector<16xf32>
      %slice3A_325 = vector.extract_strided_slice %sub3A {offsets = [9], sizes = [1], strides = [1]} : vector<16xi32> to vector<1xi32>
      %squeeze3A_326 = vector.extract %slice3A_325[0] : i32 from vector<1xi32>
      %broadcast_in_dim3A_327 = vector.broadcast %squeeze3A_326 : i32 to vector<16x1xi32>
      %gather3A_328 = vector.shape_cast %broadcast_in_dim3A_327 : vector<16x1xi32> to vector<16xi32>
      %gather3A_329 = tpu.dynamic_gather %get3A_324[%gather3A_328] in [0] : vector<16xf32>, vector<16xi32> -> vector<16xf32>
      %eq3A_330 = arith.constant 9 : i32
      %eq3A_331 = vector.broadcast %eq3A_330 : i32 to vector<16xi32>
      %eq3A_332 = arith.cmpi eq, %iota3A, %eq3A_331 : vector<16xi32>
      %select_n3A_333 = arith.select %eq3A_332, %gather3A_329, %select_n3A_315 : vector<16xi1>, vector<16xf32>
      %slice3A_334 = vector.extract_strided_slice %min3A_157 {offsets = [10], sizes = [1], strides = [1]} : vector<16xi32> to vector<1xi32>
      %squeeze3A_335 = vector.extract %slice3A_334[0] : i32 from vector<1xi32>
      %multiple_of3A_336 = tpu.assume_multiple %squeeze3A_335, 8 : i32
      %add3A_337 = arith.constant 10 : i32
      %add3A_338 = arith.addi %multiple_of3A, %add3A_337 : i32
      %get3A_339 = arith.index_cast %add3A_338 : i32 to index
      %get3A_340 = arith.index_cast %multiple_of3A_336 : i32 to index
      %get3A_341 = tpu.vector_load %arg8[%get3A_339, %get3A_340] {strides = array<i32>} : memref<512x128xf32, #tpu.memory_space<vmem>>, vector<1x16xf32>,
      %get3A_342 = vector.shape_cast %get3A_341 : vector<1x16xf32> to vector<16xf32>
      %slice3A_343 = vector.extract_strided_slice %sub3A {offsets = [10], sizes = [1], strides = [1]} : vector<16xi32> to vector<1xi32>
      %squeeze3A_344 = vector.extract %slice3A_343[0] : i32 from vector<1xi32>
      %broadcast_in_dim3A_345 = vector.broadcast %squeeze3A_344 : i32 to vector<16x1xi32>
      %gather3A_346 = vector.shape_cast %broadcast_in_dim3A_345 : vector<16x1xi32> to vector<16xi32>
      %gather3A_347 = tpu.dynamic_gather %get3A_342[%gather3A_346] in [0] : vector<16xf32>, vector<16xi32> -> vector<16xf32>
      %eq3A_348 = arith.constant 10 : i32
      %eq3A_349 = vector.broadcast %eq3A_348 : i32 to vector<16xi32>
      %eq3A_350 = arith.cmpi eq, %iota3A, %eq3A_349 : vector<16xi32>
      %select_n3A_351 = arith.select %eq3A_350, %gather3A_347, %select_n3A_333 : vector<16xi1>, vector<16xf32>
      %slice3A_352 = vector.extract_strided_slice %min3A_157 {offsets = [11], sizes = [1], strides = [1]} : vector<16xi32> to vector<1xi32>
      %squeeze3A_353 = vector.extract %slice3A_352[0] : i32 from vector<1xi32>
      %multiple_of3A_354 = tpu.assume_multiple %squeeze3A_353, 8 : i32
      %add3A_355 = arith.constant 11 : i32
      %add3A_356 = arith.addi %multiple_of3A, %add3A_355 : i32
      %get3A_357 = arith.index_cast %add3A_356 : i32 to index
      %get3A_358 = arith.index_cast %multiple_of3A_354 : i32 to index
      %get3A_359 = tpu.vector_load %arg8[%get3A_357, %get3A_358] {strides = array<i32>} : memref<512x128xf32, #tpu.memory_space<vmem>>, vector<1x16xf32>,
      %get3A_360 = vector.shape_cast %get3A_359 : vector<1x16xf32> to vector<16xf32>
      %slice3A_361 = vector.extract_strided_slice %sub3A {offsets = [11], sizes = [1], strides = [1]} : vector<16xi32> to vector<1xi32>
      %squeeze3A_362 = vector.extract %slice3A_361[0] : i32 from vector<1xi32>
      %broadcast_in_dim3A_363 = vector.broadcast %squeeze3A_362 : i32 to vector<16x1xi32>
      %gather3A_364 = vector.shape_cast %broadcast_in_dim3A_363 : vector<16x1xi32> to vector<16xi32>
      %gather3A_365 = tpu.dynamic_gather %get3A_360[%gather3A_364] in [0] : vector<16xf32>, vector<16xi32> -> vector<16xf32>
      %eq3A_366 = arith.constant 11 : i32
      %eq3A_367 = vector.broadcast %eq3A_366 : i32 to vector<16xi32>
      %eq3A_368 = arith.cmpi eq, %iota3A, %eq3A_367 : vector<16xi32>
      %select_n3A_369 = arith.select %eq3A_368, %gather3A_365, %select_n3A_351 : vector<16xi1>, vector<16xf32>
      %slice3A_370 = vector.extract_strided_slice %min3A_157 {offsets = [12], sizes = [1], strides = [1]} : vector<16xi32> to vector<1xi32>
      %squeeze3A_371 = vector.extract %slice3A_370[0] : i32 from vector<1xi32>
      %multiple_of3A_372 = tpu.assume_multiple %squeeze3A_371, 8 : i32
      %add3A_373 = arith.constant 12 : i32
      %add3A_374 = arith.addi %multiple_of3A, %add3A_373 : i32
      %get3A_375 = arith.index_cast %add3A_374 : i32 to index
      %get3A_376 = arith.index_cast %multiple_of3A_372 : i32 to index
      %get3A_377 = tpu.vector_load %arg8[%get3A_375, %get3A_376] {strides = array<i32>} : memref<512x128xf32, #tpu.memory_space<vmem>>, vector<1x16xf32>,
      %get3A_378 = vector.shape_cast %get3A_377 : vector<1x16xf32> to vector<16xf32>
      %slice3A_379 = vector.extract_strided_slice %sub3A {offsets = [12], sizes = [1], strides = [1]} : vector<16xi32> to vector<1xi32>
      %squeeze3A_380 = vector.extract %slice3A_379[0] : i32 from vector<1xi32>
      %broadcast_in_dim3A_381 = vector.broadcast %squeeze3A_380 : i32 to vector<16x1xi32>
      %gather3A_382 = vector.shape_cast %broadcast_in_dim3A_381 : vector<16x1xi32> to vector<16xi32>
      %gather3A_383 = tpu.dynamic_gather %get3A_378[%gather3A_382] in [0] : vector<16xf32>, vector<16xi32> -> vector<16xf32>
      %eq3A_384 = arith.constant 12 : i32
      %eq3A_385 = vector.broadcast %eq3A_384 : i32 to vector<16xi32>
      %eq3A_386 = arith.cmpi eq, %iota3A, %eq3A_385 : vector<16xi32>
      %select_n3A_387 = arith.select %eq3A_386, %gather3A_383, %select_n3A_369 : vector<16xi1>, vector<16xf32>
      %slice3A_388 = vector.extract_strided_slice %min3A_157 {offsets = [13], sizes = [1], strides = [1]} : vector<16xi32> to vector<1xi32>
      %squeeze3A_389 = vector.extract %slice3A_388[0] : i32 from vector<1xi32>
      %multiple_of3A_390 = tpu.assume_multiple %squeeze3A_389, 8 : i32
      %add3A_391 = arith.constant 13 : i32
      %add3A_392 = arith.addi %multiple_of3A, %add3A_391 : i32
      %get3A_393 = arith.index_cast %add3A_392 : i32 to index
      %get3A_394 = arith.index_cast %multiple_of3A_390 : i32 to index
      %get3A_395 = tpu.vector_load %arg8[%get3A_393, %get3A_394] {strides = array<i32>} : memref<512x128xf32, #tpu.memory_space<vmem>>, vector<1x16xf32>,
      %get3A_396 = vector.shape_cast %get3A_395 : vector<1x16xf32> to vector<16xf32>
      %slice3A_397 = vector.extract_strided_slice %sub3A {offsets = [13], sizes = [1], strides = [1]} : vector<16xi32> to vector<1xi32>
      %squeeze3A_398 = vector.extract %slice3A_397[0] : i32 from vector<1xi32>
      %broadcast_in_dim3A_399 = vector.broadcast %squeeze3A_398 : i32 to vector<16x1xi32>
      %gather3A_400 = vector.shape_cast %broadcast_in_dim3A_399 : vector<16x1xi32> to vector<16xi32>
      %gather3A_401 = tpu.dynamic_gather %get3A_396[%gather3A_400] in [0] : vector<16xf32>, vector<16xi32> -> vector<16xf32>
      %eq3A_402 = arith.constant 13 : i32
      %eq3A_403 = vector.broadcast %eq3A_402 : i32 to vector<16xi32>
      %eq3A_404 = arith.cmpi eq, %iota3A, %eq3A_403 : vector<16xi32>
      %select_n3A_405 = arith.select %eq3A_404, %gather3A_401, %select_n3A_387 : vector<16xi1>, vector<16xf32>
      %slice3A_406 = vector.extract_strided_slice %min3A_157 {offsets = [14], sizes = [1], strides = [1]} : vector<16xi32> to vector<1xi32>
      %squeeze3A_407 = vector.extract %slice3A_406[0] : i32 from vector<1xi32>
      %multiple_of3A_408 = tpu.assume_multiple %squeeze3A_407, 8 : i32
      %add3A_409 = arith.constant 14 : i32
      %add3A_410 = arith.addi %multiple_of3A, %add3A_409 : i32
      %get3A_411 = arith.index_cast %add3A_410 : i32 to index
      %get3A_412 = arith.index_cast %multiple_of3A_408 : i32 to index
      %get3A_413 = tpu.vector_load %arg8[%get3A_411, %get3A_412] {strides = array<i32>} : memref<512x128xf32, #tpu.memory_space<vmem>>, vector<1x16xf32>,
      %get3A_414 = vector.shape_cast %get3A_413 : vector<1x16xf32> to vector<16xf32>
      %slice3A_415 = vector.extract_strided_slice %sub3A {offsets = [14], sizes = [1], strides = [1]} : vector<16xi32> to vector<1xi32>
      %squeeze3A_416 = vector.extract %slice3A_415[0] : i32 from vector<1xi32>
      %broadcast_in_dim3A_417 = vector.broadcast %squeeze3A_416 : i32 to vector<16x1xi32>
      %gather3A_418 = vector.shape_cast %broadcast_in_dim3A_417 : vector<16x1xi32> to vector<16xi32>
      %gather3A_419 = tpu.dynamic_gather %get3A_414[%gather3A_418] in [0] : vector<16xf32>, vector<16xi32> -> vector<16xf32>
      %eq3A_420 = arith.constant 14 : i32
      %eq3A_421 = vector.broadcast %eq3A_420 : i32 to vector<16xi32>
      %eq3A_422 = arith.cmpi eq, %iota3A, %eq3A_421 : vector<16xi32>
      %select_n3A_423 = arith.select %eq3A_422, %gather3A_419, %select_n3A_405 : vector<16xi1>, vector<16xf32>
      %slice3A_424 = vector.extract_strided_slice %min3A_157 {offsets = [15], sizes = [1], strides = [1]} : vector<16xi32> to vector<1xi32>
      %squeeze3A_425 = vector.extract %slice3A_424[0] : i32 from vector<1xi32>
      %multiple_of3A_426 = tpu.assume_multiple %squeeze3A_425, 8 : i32
      %add3A_427 = arith.constant 15 : i32
      %add3A_428 = arith.addi %multiple_of3A, %add3A_427 : i32
      %get3A_429 = arith.index_cast %add3A_428 : i32 to index
      %get3A_430 = arith.index_cast %multiple_of3A_426 : i32 to index
      %get3A_431 = tpu.vector_load %arg8[%get3A_429, %get3A_430] {strides = array<i32>} : memref<512x128xf32, #tpu.memory_space<vmem>>, vector<1x16xf32>,
      %get3A_432 = vector.shape_cast %get3A_431 : vector<1x16xf32> to vector<16xf32>
      %slice3A_433 = vector.extract_strided_slice %sub3A {offsets = [15], sizes = [1], strides = [1]} : vector<16xi32> to vector<1xi32>
      %squeeze3A_434 = vector.extract %slice3A_433[0] : i32 from vector<1xi32>
      %broadcast_in_dim3A_435 = vector.broadcast %squeeze3A_434 : i32 to vector<16x1xi32>
      %gather3A_436 = vector.shape_cast %broadcast_in_dim3A_435 : vector<16x1xi32> to vector<16xi32>
      %gather3A_437 = tpu.dynamic_gather %get3A_432[%gather3A_436] in [0] : vector<16xf32>, vector<16xi32> -> vector<16xf32>
      %eq3A_438 = arith.constant 15 : i32
      %eq3A_439 = vector.broadcast %eq3A_438 : i32 to vector<16xi32>
      %eq3A_440 = arith.cmpi eq, %iota3A, %eq3A_439 : vector<16xi32>
      %select_n3A_441 = arith.select %eq3A_440, %gather3A_437, %select_n3A_423 : vector<16xi1>, vector<16xf32>
      %add3A_442 = arith.addf %select_n3A_441, %gather3A_74 : vector<16xf32>
      %neg3A = arith.constant 0.000000e+00 : f32
      %neg3A_443 = vector.broadcast %neg3A : f32 to vector<16xf32>
      %neg3A_444 = arith.subf %neg3A_443, %add3A_442 : vector<16xf32>
      %exp3A = math.exp %neg3A_444 : vector<16xf32>
      %add3A_445 = arith.constant 1.000000e+00 : f32
      %add3A_446 = vector.broadcast %add3A_445 : f32 to vector<16xf32>
      %add3A_447 = arith.addf %add3A_446, %exp3A : vector<16xf32>
      %div3A = arith.constant 1.000000e+00 : f32
      %div3A_448 = vector.broadcast %div3A : f32 to vector<16xf32>
      %div3A_449 = arith.divf %div3A_448, %add3A_447 : vector<16xf32>
      %swap3A = arith.index_cast %multiple_of3A : i32 to index
      %swap3A_450 = tpu.vector_load %arg9[%swap3A] {strides = array<i32>} : memref<512xf32, #tpu.memory_space<vmem>>, vector<16xf32>,
      %swap3A_451 = vector.shape_cast %swap3A_450 : vector<16xf32> to vector<16xf32>
      %swap3A_452 = vector.shape_cast %div3A_449 : vector<16xf32> to vector<16xf32>
      tpu.vector_store %arg9[%swap3A], %swap3A_452 {strides = array<i32>} : memref<512xf32, #tpu.memory_space<vmem>>, vector<16xf32>,
    }
    %scan3A_143 = arith.constant 32 : i32
    "tpu.region"() ({
      %run_scoped3A = tpu.sem_alloc : memref<!tpu.dma_semaphore, #tpu.memory_space<semaphore_mem>>
      %dma_start3A_144 = tpu.memref_slice %arg5[%mul3A_2] : memref<16384xf32, #tpu.memory_space<hbm>> -> memref<512xf32, #tpu.memory_space<hbm>>
      %dma_start3A_145 = tpu.memref_slice %arg5[%mul3A_2] : memref<16384xf32, #tpu.memory_space<hbm>> -> memref<512xf32, #tpu.memory_space<hbm>>
      tpu.enqueue_dma source(%arg9 : memref<512xf32, #tpu.memory_space<vmem>>) target(%dma_start3A_145 : memref<512xf32, #tpu.memory_space<hbm>>) target_semaphore(%run_scoped3A : memref<!tpu.dma_semaphore, #tpu.memory_space<semaphore_mem>>)
      %dma_wait3A_146 = tpu.memref_slice %arg5[%mul3A_2] : memref<16384xf32, #tpu.memory_space<hbm>> -> memref<512xf32, #tpu.memory_space<hbm>>
      %dma_wait3A_147 = tpu.memref_slice %arg5[%mul3A_2] : memref<16384xf32, #tpu.memory_space<hbm>> -> memref<512xf32, #tpu.memory_space<hbm>>
      tpu.wait_dma2 semaphore(%run_scoped3A : memref<!tpu.dma_semaphore, #tpu.memory_space<semaphore_mem>>) src(%arg9 : memref<512xf32, #tpu.memory_space<vmem>>) dst(%dma_wait3A_147 : memref<512xf32, #tpu.memory_space<hbm>>)
      tpu.yield
    }) : () -> ()
    return
  }
}

module attributes {stable_mosaic.version = 14 : i64} {
  func.func @_tv_body(%arg0: i32, %arg1: memref<1x32xf32, #tpu.memory_space<vmem>>, %arg2: memref<32x65536xf32, #tpu.memory_space<vmem>>, %arg3: memref<65536xf32, #tpu.memory_space<vmem>>) attributes {dimension_semantics = [#tpu.dimension_semantics<arbitrary>], iteration_bounds = array<i64: 16>, scalar_prefetch = 0 : i64, scratch_operands = 0 : i64, tpu.core_type = #tpu.core_type<tc>, window_params = [{pipeline_mode = #tpu.pipeline_mode<synchronous>, transform_indices = @transform_0, window_bounds = array<i64: 1, 32>}, {transform_indices = @transform_1, window_bounds = array<i64: 32, 65536>}, {transform_indices = @transform_2, window_bounds = array<i64: 65536>}]} {
    %get3A = arith.constant 0 : index
    %get3A_0 = arith.constant 0 : index
    %get3A_1 = vector.load %arg1[%get3A, %get3A_0] : memref<1x32xf32, #tpu.memory_space<vmem>>, vector<1x32xf32>
    %get3A_2 = arith.constant 0 : index
    %get3A_3 = arith.constant 0 : index
    %get3A_4 = vector.load %arg2[%get3A_2, %get3A_3] : memref<32x65536xf32, #tpu.memory_space<vmem>>, vector<32x65536xf32>
    %dot_general3A = arith.constant dense<0.000000e+00> : vector<1x65536xf32>
    %dot_general3A_5 = tpu.matmul %get3A_1, %get3A_4, %dot_general3A {dimension_numbers = #tpu.dot_dimension_numbers<[1], [0], [0], [1], [0, 0, 1, 1], [], []>, transpose_lhs_hint = false} : vector<1x32xf32>, vector<32x65536xf32>, vector<1x65536xf32> -> vector<1x65536xf32>
    %reshape3A = vector.shape_cast %dot_general3A_5 : vector<1x65536xf32> to vector<65536xf32>
    %swap3A = arith.constant 0 : index
    %swap3A_6 = vector.load %arg3[%swap3A] : memref<65536xf32, #tpu.memory_space<vmem>>, vector<65536xf32>
    tpu.vector_store %arg3[%swap3A], %reshape3A {strides = array<i32>} : memref<65536xf32, #tpu.memory_space<vmem>>, vector<65536xf32>,
    return
  }
  func.func @transform_0(%arg0: i32) -> (i32, i32) {
    %c0_i32 = arith.constant 0 : i32
    %c0_i32_0 = arith.constant 0 : i32
    %c0_i32_1 = arith.constant 0 : i32
    return %c0_i32, %c0_i32_0 : i32, i32
  }
  func.func @transform_1(%arg0: i32) -> (i32, i32) {
    %c0_i32 = arith.constant 0 : i32
    %c0_i32_0 = arith.constant 0 : i32
    return %c0_i32, %arg0 : i32, i32
  }
  func.func @transform_2(%arg0: i32) -> i32 {
    %c0_i32 = arith.constant 0 : i32
    return %arg0 : i32
  }
}

</mosaic_0001>

<sc_bundles>
// kernel: _run.4.cloned.1.call-start
scs
__scs_entry_jumppad:
0x0: {  	(pc) =	sbr.rel $0x88, $3  }
0x1: {  	(tag) =	ssettag $0x0;
	lr =	simm.s32 $0x1  }
0x2: {  	[smem:$0x3F9D] =	sst lr;
	_ =	strace $0xD0000000  }
0x3: {  	_ = 	snop  }
0x4: {  	_ = 	snop  }
0x5: {  	_ = 	snop  }
0x6: {  	_ = 	snop  }
0x7: {  	_ = 	snop  }
__scs_overlays_trampoline_lowered:
0x8: {  	[smem:$0x3FAC] =	sst s0  }
0x9: {  	[smem:$0x3FAD] =	sst s1  }
0xa: {  	[smem:$0x3FAE] =	sst s2  }
0xb: {  	[smem:$0x3FAF] =	sst s3  }
0xc: {  	[smem:$0x3FB0] =	sst s4  }
0xd: {  	[smem:$0x3FB1] =	sst s5  }
0xe: {  	[smem:$0x3FB2] =	sst s6  }
0xf: {  	[smem:$0x3FB3] =	sst s7  }
0x10: {  	[smem:$0x3FB4] =	sst s8  }
0x11: {  	[smem:$0x3FB5] =	sst s9;
	s0 =	simm.s32 @!p0 $0x0  }
0x12: {  	s1 =	sld [smem:$0x3F9B];
	s0 =	simm.s32 @p0 $0x1  }
0x13: {  	[smem:$0x3FB6] =	sst s0;
	s0 =	simm.s32 @!p1 $0x0  }
0x14: {  	s2 =	sld [smem:$0x3F9A];
	s0 =	simm.s32 @p1 $0x1  }
0x15: {  	[smem:$0x3FB7] =	sst s0;
	s0 =	simm.s32 @!p2 $0x0  }
0x16: {  	s3 =	sld [smem:$0x3FDB];
	s0 =	simm.s32 @p2 $0x1  }
0x17: {  	s4 =	simm.s32 $0x1BF5;
	[smem:$0x3FB9] =	sst s0  }
0x18: {  	s0 =	sld [smem:$0x3F9C];
	_ =	swait.ge [sflag:s4], $0x0  }
0x19: {  	s7 =	sld [smem:$0x3F9D]  }
0x1a: {  	s8 =	sadd.s32 $0xFFFFE003, lr  }
0x1b: {  	s9 =	sadd.s32 $0xFFFFFEF7, lr;
	s5 =	simm.s32 $0xFFFFFFFF;
	p2 =	slt.u32 s8, $0xFFFFF086  }
0x1c: {  	p1 =	slt.u32 s9, $0xF7A;
	s5 =	simm.s32 @!p2 $0x0  }
0x1d: {  	s5 =	simm.s32 @p1 $0x1;
	p0 =	seq.s32 s7, s2  }
0x1e: {  	s7 =	smul.u32 @!p0 $0xF7A, s2;
	p2 =	seq.s32 @!p0 s5, $0x0  }
0x1f: {  	s9 =	smul.u32 $0xF7A, s1;
	s8 =	simm.s32 @!p0 $0x1BF5;
	p2 =	por !p2, p0  }
0x20: {  	[sflag:s8] =	ssyncset.s32 @!p0 $0xFFFFF086;
	s6 =	sadd.s32 @!p0 s3, s7;
	s7 =	simm.s32 @!p0 $0x108  }
0x21: {  	s3 =	sadd.s32 s3, s9;
	s6 =	sadd.s32 @!p0 $0x88, s6;
	s7 =	simm.s32 @p2 $0x1082  }
0x22: {  	[simem:s7], [sflag:s8] =	dma.local @!p0 [hbm:s6], $0xF7A  }
0x23: {  	s9 =	sor.u32 $0xD0000000, s2;
	s6 =	simm.s32 $0x108;
	_ =	swait.ge @!p0 [sflag:s8], $0x0  }
0x24: {  	s3 =	sadd.s32 $0x88, s3;
	s6 =	simm.s32 @!p1 $0x1082;
	[sflag:s4] =	ssyncset.s32 $0xFFFFF086  }
0x25: {  	[simem:s6], [sflag:s4] =	dma.local [hbm:s3], $0xF7A  }
0x26: {  	[smem:$0x3F9D] =	sst s1;
	(tag) =	ssettag s2;
	_ =	strace s9  }
0x27: {  	s1 =	sld [smem:$0x3FAD]  }
0x28: {  	s2 =	sld [smem:$0x3FAE]  }
0x29: {  	s4 =	sld [smem:$0x3FB0]  }
0x2a: {  	p0 =	seq.s32 s5, $0x0;
	s5 =	sld [smem:$0x3FB1]  }
0x2b: {  	s6 =	sld [smem:$0x3FB2]  }
0x2c: {  	s7 =	sld [smem:$0x3FB3]  }
0x2d: {  	s3 =	simm.s32 $0x108;
	s8 =	sld [smem:$0x3FB4]  }
0x2e: {  	s3 =	simm.s32 @!p0 $0x1082;
	s9 =	sld [smem:$0x3FB5]  }
0x2f: {  	lr =	sadd.s32 s0, s3;
	s0 =	sld [smem:$0x3FAC]  }
0x30: {  	s3 =	sld [smem:$0x3FAF]  }
0x31: {  	[smem:$0x3FB8] =	sst s10  }
0x32: {  	s10 =	sld [smem:$0x3FB6];
	_ =	sdelay $0x3  }
0x33: {  	p0 =	seq.s32 s10, $0x1;
	s10 =	sld [smem:$0x3FB8];
	_ =	sdelay $0x3  }
0x34: {  	[smem:$0x3FB8] =	sst s10  }
0x35: {  	s10 =	sld [smem:$0x3FB7];
	_ =	sdelay $0x3  }
0x36: {  	p1 =	seq.s32 s10, $0x1;
	s10 =	sld [smem:$0x3FB8];
	_ =	sdelay $0x3  }
0x37: {  	[smem:$0x3FB8] =	sst s10  }
0x38: {  	s10 =	sld [smem:$0x3FB9]  }
0x39: {  	_ = 	snop;
	(pc) =	sbr.ind lr, $3  }
0x3a: {  	_ = 	snop  }
0x3b: {  	_ = 	snop  }
0x3c: {  	p2 =	seq.s32 s10, $0x1;
	s10 =	sld [smem:$0x3FB8]  }
0x3d: {  	_ =	shalt  }
0x3e: {  	_ =	shalt  }
0x3f: {  	_ =	shalt  }
0x40: {  	_ =	shalt  }
0x41: {  	_ =	shalt  }
0x42: {  	_ =	shalt  }
0x43: {  	_ =	shalt  }
0x44: {  	_ =	shalt  }
0x45: {  	_ =	shalt  }
0x46: {  	_ =	shalt  }
0x47: {  	_ =	shalt  }
0x48: {  	_ =	shalt  }
0x49: {  	_ =	shalt  }
0x4a: {  	_ =	shalt  }
0x4b: {  	_ =	shalt  }
0x4c: {  	_ =	shalt  }
0x4d: {  	_ =	shalt  }
0x4e: {  	_ =	shalt  }
0x4f: {  	_ =	shalt  }
0x50: {  	_ =	shalt  }
0x51: {  	_ =	shalt  }
0x52: {  	_ =	shalt  }
0x53: {  	_ =	shalt  }
0x54: {  	_ =	shalt  }
0x55: {  	_ =	shalt  }
0x56: {  	_ =	shalt  }
0x57: {  	_ =	shalt  }
0x58: {  	_ =	shalt  }
0x59: {  	_ =	shalt  }
0x5a: {  	_ =	shalt  }
0x5b: {  	_ =	shalt  }
0x5c: {  	_ =	shalt  }
0x5d: {  	_ =	shalt  }
0x5e: {  	_ =	shalt  }
0x5f: {  	_ =	shalt  }
0x60: {  	_ =	shalt  }
0x61: {  	_ =	shalt  }
0x62: {  	_ =	shalt  }
0x63: {  	_ =	shalt  }
0x64: {  	_ =	shalt  }
0x65: {  	_ =	shalt  }
0x66: {  	_ =	shalt  }
0x67: {  	_ =	shalt  }
0x68: {  	_ =	shalt  }
0x69: {  	_ =	shalt  }
0x6a: {  	_ =	shalt  }
0x6b: {  	_ =	shalt  }
0x6c: {  	_ =	shalt  }
0x6d: {  	_ =	shalt  }
0x6e: {  	_ =	shalt  }
0x6f: {  	_ =	shalt  }
0x70: {  	_ =	shalt  }
0x71: {  	_ =	shalt  }
0x72: {  	_ =	shalt  }
0x73: {  	_ =	shalt  }
0x74: {  	_ =	shalt  }
0x75: {  	_ =	shalt  }
0x76: {  	_ =	shalt  }
0x77: {  	_ =	shalt  }
0x78: {  	_ =	shalt  }
0x79: {  	_ =	shalt  }
0x7a: {  	_ =	shalt  }
0x7b: {  	_ =	shalt  }
0x7c: {  	_ =	shalt  }
0x7d: {  	_ =	shalt  }
0x7e: {  	_ =	shalt  }
0x7f: {  	_ =	shalt  }
0x80: {  	_ =	shalt  }
0x81: {  	_ =	shalt  }
0x82: {  	_ =	shalt  }
0x83: {  	_ =	shalt  }
0x84: {  	_ =	shalt  }
0x85: {  	_ =	shalt  }
0x86: {  	_ =	shalt  }
0x87: {  	_ =	shalt  }
.Lfunc_end0:
.L_simem_size_0:
called_computation_lowered:
.L_overlay_start_0:
0x88: {  	s2 =	sld [smem:$0x3FD9]  }
0x89: {  	s3 =	sld [smem:$0x3FFE];
	_ =	sdelay $0x1  }
0x8a: {  	s1 =	srdreg.scid  }
0x8b: {  	s0 =	sand.u32 $0x1, s1  }
0x8c: {  	s17 =	sshll.u32 s0, $0xA;
	s2 =	sadd.s32 s3, s2  }
0x8d: {  	s2 =	sadd.s32 s2, s17  }
0x8e: {  	[smem:$0x3FC4] =	sst s2  }
0x8f: {  	_ = 	snop  }
0x90: {  	s2 =	sld [smem:$0x3FC9]  }
0x91: {  	s18 =	sld [smem:$0x3FC6]  }
0x92: {  	s4 =	sld [smem:$0x3FD0];
	(tm) =	ssettm $0x1  }
0x93: {  	s5 =	sld [smem:$0x3FFB];
	_ =	sdelay $0x3  }
0x94: {  	_ =	strace s5  }
0x95: {  	s5 =	sld [smem:$0x3FFC];
	_ =	sdelay $0x3  }
0x96: {  	_ =	strace s5  }
0x97: {  	s5 =	sld [smem:$0x3FFD];
	_ =	sdelay $0x3  }
0x98: {  	_ =	strace s5  }
0x99: {  	_ =	strace $0x8FFFFFFF  }
0x9a: {  	s19 =	sld [smem:$0x3FDB];
	_ =	sdelay $0x1  }
0x9b: {  	s6 =	simm.s32 $_scs_section_size  }
0x9c: {  	s7 =	simm.s32 $_size__tile_overlayer_lowered;
	s8 =	simm.s32 $_tile_overlayer_lowered  }
0x9d: {  	s22 =	simm.s32 $0x1BFF;
	s21 =	sshll.u32 s8, $0x1;
	s5 =	sadd.s32 s6, s19  }
0x9e: {  	s9 =	simm.s32 $0x0;
	s20 =	sshll.u32 s7, $0x1;
	s7 =	sadd.s32 s21, s5  }
0x9f: {  	[timem:s9], [sflag:s22] =	dma.local [hbm:s7], s20  }
0xa0: {  	_ =	swait.ge [sflag:s22], s20  }
0xa1: {  	s6 =	ssub.s32 $0x0, s20;
	[sflag:s22] =	ssyncset.done $0x0  }
0xa2: {  	[sflag:s22] =	ssyncadd.s32 s6;
	_ =	sdelay $0x1  }
0xa3: {  	s23 =	simm.s32 $0x1B8B  }
0xa4: {  	_ =	swait.ge [sflag:s23], $0x1  }
0xa5: {  	[sflag:s23] =	ssyncset.done $0x0  }
0xa6: {  	s25 =	simm.s32 $0x1B8E;
	s24 =	sld [smem:$0x3FFE];
	[sflag:s23] =	ssyncadd.s32 $0xFFFFFFFF  }
0xa7: {  	s26 =	simm.s32 $execute0_lowered;
	[smem:$0x3FD2] =	sst s25  }
0xa8: {  	s7 =	sshll.u32 s26, $0x1;
	_ =	strace $0x80000046;
	[dreg:$0x1] =	wrdreg $0xFFFFFFFF  }
0xa9: {  	s28 =	simm.s32 $_size_execute0_lowered;
	s5 =	sadd.s32 s5, s7;
	[dreg:$0x0] =	wrdreg $0x0  }
0xaa: {  	s7 =	sshll.u32 s28, $0x1;
	[dreg:$0x2] =	wrdreg s5  }
0xab: {  	[dreg:$0x3] =	wrdreg s7  }
0xac: {  	[dreg:$0x4] =	wrdreg $0xC0  }
0xad: {  	_ =	task [dreg:s9], $0x5FFFF  }
0xae: {  	[dreg:$0x1] =	wrdreg $0xFFFFFFFF  }
0xaf: {  	[dreg:$0x0] =	wrdreg $0x60  }
0xb0: {  	[dreg:$0x2] =	wrdreg s2  }
0xb1: {  	[dreg:$0x3] =	wrdreg s24  }
0xb2: {  	[dreg:$0x4] =	wrdreg s18  }
0xb3: {  	[dreg:$0x5] =	wrdreg s4  }
0xb4: {  	[dreg:$0x6] =	wrdreg $0x9  }
0xb5: {  	_ =	task.clear_ibuf [dreg:s9], $0x7FFFF;
	_ =	strace $0x90000046  }
0xb6: {  	s29 =	simm.s32 $0x9;
	_ =	strace $0x80000048  }
0xb7: {  	_ =	swait.ge [sflag:s29], $0x1  }
0xb8: {  	[sflag:s29] =	ssyncadd.s32 $0xFFFFFFFF  }
0xb9: {  	_ =	strace $0x90000048  }
0xba: {  	_ =	sfence  }
0xbb: {  	s30 =	sld [smem:$0x0];
	_ =	sdelay $0x2  }
0xbc: {  	s31 =	sshll.u32 s1, $0xD;
	s1 =	sshrl.u32 s1, $0x2  }
0xbd: {  	s3 =	sand.u32 $0x4000, s31;
	s1 =	sadd.s32 s1, s30  }
0xbe: {  	s0 =	sor.u32 s3, s0;
	s1 =	sshll.u32 s1, $0x11  }
0xbf: {  	s0 =	sor.u32 s1, s0  }
0xc0: {  	s0 =	sadd.s32 $0x8F2B, s0  }
0xc1: {  	[sflag:s0] =	ssyncadd.remote.s32 $0x1  }
0xc2: {  	_ =	sfence.sel $0xFFFF  }
0xc3: {  	[dreg:$0x0] =	wrdreg $0xFFFFFFFF;
	(pc) =	sbr.abs _section_cstart, $3  }
0xc4: {  	[dreg:$0x1] =	wrdreg $0xFFFFFFFF  }
0xc5: {  	_ =	task.clear_ibuf [dreg:s9], $0x2FFFF;
	_ =	strace $0x9FFFFFFF  }
0xc6: {  	(tm) =	ssettm $0x7FFFFFFF  }
0xc7: {  	_ =	shalt  }
tec
execute0_lowered:
.L_overlay_start_1:
0x0: {  	(tag) =	ssettag $0x1  }
0x1: {  	s0 =	rddreg [dreg:$0x0]  }
0x2: {  	s1 =	rddreg [dreg:$0x1]  }
0x3: {  	s2 =	rddreg [dreg:$0x3];
	s3 =	simm.s32 $0x0  }
0x4: {  	s4 =	srdreg.scid;
	s6 =	stileid.u32;
	s8 =	simm.s32 $0x5  }
0x5: {  	s10 =	simm.s32 $0x40;
	s14 =	simm.s32 $0x2400;
	s15 =	simm.s32 $0x280  }
0x6: {  	s16 =	simm.s32 $0x4400;
	s17 =	simm.s32 $0x2C0;
	s18 =	simm.s32 $0x6400  }
0x7: {  	s19 =	simm.s32 $0x300;
	s20 =	simm.s32 $0x8400;
	s21 =	simm.s32 $0x340  }
0x8: {  	s22 =	simm.s32 $0xA400;
	s23 =	simm.s32 $0x380;
	s24 =	simm.s32 $0xC400  }
0x9: {  	s25 =	simm.s32 $0x3C0;
	s28 =	simm.s32 $0x1;
	s29 =	simm.s32 $0x2  }
0xa: {  	v0 =	vimm.s32 $0x0;
	s30 =	simm.s32 $0x3;
	s31 =	simm.s32 $0x4;
	s4 =	sand.u32 $0x1, s4  }
0xb: {  	vm0 =	vmmov $0x1;
	vm1 =	vmmov $0x3;
	vm2 =	vmmov $0x7;
	[smem:$0x7FF] =	sst s3;
	s6 =	sshll.u32 s6, $0x7;
	s5 =	ssub.s32 $0x2, s4  }
0xc: {  	vm3 =	vmmov $0xf;
	vm4 =	vmmov $0x1f;
	vm5 =	vmmov $0x3f;
	s4 =	sshll.u32 s4, $0x6;
	_ =	strace $0x80000047;
	s7 =	sshrl.u32 s5, $0x1  }
0xd: {  	vm6 =	vmmov $0x7f;
	vm7 =	vmmov $0xff;
	vm8 =	vmmov $0x1ff;
	s6 =	sor.u32 s4, s6;
	s4 =	sadd.s32 $0x800, s1;
	s26 =	ssub.s32 s5, s7  }
0xe: {  	vm9 =	vmmov $0x3ff;
	vm10 =	vmmov $0x7ff;
	vm11 =	vmmov $0xfff;
	s5 =	sadd.s32 s0, s6;
	s6 =	sadd.s32 s2, s6;
	s0 =	simm.s32 $0x10400  }
0xf: {  	vm12 =	vmmov $0x1fff;
	vm13 =	vmmov $0x3fff;
	vm14 =	vmmov $0x7fff;
	s2 =	simm.s32 $0x0;
	s7 =	smax.u32 s26, $0x1;
	s26 =	simm.s32 $0xE400  }
.LBB2_1:
0x10: {  	[tilespmem:s3], [sflag:$0x5] =	stream.linear.gather [hbm4b:s5+s3], $0x200, $0x38;
	[tilespmem:$0x10680] =	vst v63  }
0x11: {  	_ =	swait.ge [sflag:s8], $0x200  }
0x12: {  	[sflag:s8] =	ssyncset.done $0x0  }
0x13: {  	[sflag:s8] =	ssyncadd.s32 $0xFFFFFE00  }
0x14: {  	s9 =	simm.s32 $0x10600;
	s1 =	rddreg [dreg:$0x2]  }
0x15: {  	[tilespmem:s9], [sflag:$0x5] =	stream.linear.gather [hbm4b:s1+s3], $0x1, $0x38;
	[tilespmem:$0x10680] =	vst v63  }
0x16: {  	_ =	swait.ge [sflag:s8], $0x1  }
0x17: {  	[sflag:s8] =	ssyncset.done $0x0  }
0x18: {  	s1 =	simm.s32 $0x0;
	[sflag:s8] =	ssyncadd.s32 $0xFFFFFFFF  }
0x19: {  	s9 =	simm.s32 $0x40;
	v1 =	vld [tilespmem:s1+$0x0]  }
.LBB2_2:
0x1a: {  	p0 =	sne.s32 s9, $0x7C0  }
.Ltmp0:
0x1b: {  	_ = 	snop;
	(pc) =	sbr.rel @p0 .LBB2_2-.Ltmp0, $3  }
0x1c: {  	_ =	sdelay $0x1  }
0x1d: {  	s11 =	sshra.s32 s9, $0x2;
	s9 =	sadd.s32 $0x40, s9;
	v2 =	vshrl.u32 v1, $0x7  }
0x1e: {  	v1 =	vld [tilespmem:s11+$0x0];
	[tilespmem:s1+$0x200] =	vst v2;
	s1 =	smov.u32 s11  }
0x1f: {  	_ =	sdelay $0x3  }
0x20: {  	v1 =	vshrl.u32 v1, $0x7  }
0x21: {  	s13 =	simm.s32 $0x200;
	s9 =	simm.s32 $0x400;
	[tilespmem:s1+$0x200] =	vst v1  }
0x22: {  	[tilespmem:s9], [sflag:$0x1] =	stream.indirect.gather [hbm4b:s4+s10], $0x80, s13, s10, $0xb8;
	[tilespmem:$0x10680] =	vst v63  }
0x23: {  	s11 =	simm.s32 $0x240  }
0x24: {  	[tilespmem:s14], [sflag:$0x2] =	stream.indirect.gather [hbm4b:s4+s10], $0x80, s11, s10, $0xb8;
	[tilespmem:$0x10680] =	vst v63  }
0x25: {  	_ = 	snop  }
0x26: {  	[tilespmem:s16], [sflag:$0x3] =	stream.indirect.gather [hbm4b:s4+s10], $0x80, s15, s10, $0xb8;
	[tilespmem:$0x10680] =	vst v63  }
0x27: {  	_ = 	snop  }
0x28: {  	[tilespmem:s18], [sflag:$0x4] =	stream.indirect.gather [hbm4b:s4+s10], $0x80, s17, s10, $0xb8;
	[tilespmem:$0x10680] =	vst v63  }
0x29: {  	_ = 	snop  }
0x2a: {  	[tilespmem:s20], [sflag:$0x1] =	stream.indirect.gather [hbm4b:s4+s10], $0x80, s19, s10, $0xb8;
	[tilespmem:$0x10680] =	vst v63  }
0x2b: {  	_ = 	snop  }
0x2c: {  	[tilespmem:s22], [sflag:$0x2] =	stream.indirect.gather [hbm4b:s4+s10], $0x80, s21, s10, $0xb8;
	[tilespmem:$0x10680] =	vst v63  }
0x2d: {  	_ = 	snop  }
0x2e: {  	[tilespmem:s24], [sflag:$0x3] =	stream.indirect.gather [hbm4b:s4+s10], $0x80, s23, s10, $0xb8;
	[tilespmem:$0x10680] =	vst v63  }
0x2f: {  	_ = 	snop  }
0x30: {  	[tilespmem:s26], [sflag:$0x4] =	stream.indirect.gather [hbm4b:s4+s10], $0x80, s25, s10, $0xb8;
	[tilespmem:$0x10680] =	vst v63  }
0x31: {  	v1 =	vld [tilespmem:$0x10600];
	_ =	swait.ge [sflag:s28], $0x2000  }
0x32: {  	[sflag:s28] =	ssyncset.done $0x0  }
0x33: {  	[sflag:s28] =	ssyncadd.s32 $0xFFFFE000  }
0x34: {  	_ =	swait.ge [sflag:s29], $0x2000  }
0x35: {  	[sflag:s29] =	ssyncset.done $0x0  }
0x36: {  	[sflag:s29] =	ssyncadd.s32 $0xFFFFE000  }
0x37: {  	_ =	swait.ge [sflag:s30], $0x2000  }
0x38: {  	[sflag:s30] =	ssyncset.done $0x0  }
0x39: {  	[sflag:s30] =	ssyncadd.s32 $0xFFFFE000  }
0x3a: {  	_ =	swait.ge [sflag:s31], $0x2000  }
0x3b: {  	[sflag:s31] =	ssyncset.done $0x0  }
0x3c: {  	[sflag:s31] =	ssyncadd.s32 $0xFFFFE000  }
0x3d: {  	_ =	swait.ge [sflag:s28], $0x2000  }
0x3e: {  	[sflag:s28] =	ssyncset.done $0x0  }
0x3f: {  	[sflag:s28] =	ssyncadd.s32 $0xFFFFE000  }
0x40: {  	_ =	swait.ge [sflag:s29], $0x2000  }
0x41: {  	[sflag:s29] =	ssyncset.done $0x0  }
0x42: {  	[sflag:s29] =	ssyncadd.s32 $0xFFFFE000  }
0x43: {  	_ =	swait.ge [sflag:s30], $0x2000  }
0x44: {  	[sflag:s30] =	ssyncset.done $0x0  }
0x45: {  	[sflag:s30] =	ssyncadd.s32 $0xFFFFE000  }
0x46: {  	_ =	swait.ge [sflag:s31], $0x2000  }
0x47: {  	[sflag:s31] =	ssyncset.done $0x0  }
0x48: {  	s12 =	simm.s32 $0x0;
	[sflag:s31] =	ssyncadd.s32 $0xFFFFE000  }
0x49: {  	v2 =	vld [tilespmem:s12+$0x0];
	_ =	sdelay $0x4  }
0x4a: {  	v3 =	vand.u32 $0x78, v2  }
0x4b: {  	s13 =	simm.s32 $0x0;
	v3 =	vmin.u32 v3, $0x70  }
0x4c: {  	v4 =	vadd.s32 s13, v3  }
0x4d: {  	(v2sf) =	vpush v4, $0x0  }
0x4e: {  	(v2sf) =	vpush v4, $0x1  }
0x4f: {  	(v2sf) =	vpush v4, $0x2  }
0x50: {  	(v2sf) =	vpush v4, $0x3  }
0x51: {  	(v2sf) =	vpush v4, $0x4  }
0x52: {  	(v2sf) =	vpush v4, $0x5  }
0x53: {  	(v2sf) =	vpush v4, $0x6  }
0x54: {  	(v2sf) =	vpush v4, $0x7  }
0x55: {  	(v2sf) =	vpush v4, $0x8  }
0x56: {  	(v2sf) =	vpush v4, $0x9  }
0x57: {  	(v2sf) =	vpush v4, $0xA  }
0x58: {  	(v2sf) =	vpush v4, $0xB  }
0x59: {  	(v2sf) =	vpush v4, $0xC  }
0x5a: {  	(v2sf) =	vpush v4, $0xD  }
0x5b: {  	(v2sf) =	vpush v4, $0xE  }
0x5c: {  	s9 =	spop (v2sf);
	(v2sf) =	vpush v4, $0xF  }
0x5d: {  	v31 =	vld [tilespmem:s9+$0x400];
	s11 =	spop (v2sf)  }
0x5e: {  	v5 =	vld [tilespmem:s11+$0x480];
	s12 =	spop (v2sf)  }
0x5f: {  	v6 =	vld [tilespmem:s12+$0x500];
	s13 =	spop (v2sf)  }
0x60: {  	v2 =	vsub.s32 v2, v3;
	v3 =	vld [tilespmem:s13+$0x580];
	s9 =	spop (v2sf)  }
0x61: {  	v7 =	vbroadcast v2, $0x0;
	v8 =	vbroadcast v2, $0x1;
	v9 =	vld [tilespmem:s9+$0x600];
	s11 =	spop (v2sf)  }
0x62: {  	v10 =	vbroadcast v2, $0x2;
	v11 =	vbroadcast v2, $0x3;
	v12 =	vld [tilespmem:s11+$0x680];
	s12 =	spop (v2sf)  }
0x63: {  	v4 =	vperm.xlane v31, v7;
	v5 =	vperm.xlane v5, v8;
	v32 =	vld [tilespmem:s12+$0x700];
	s13 =	spop (v2sf)  }
0x64: {  	v33 =	vbroadcast v2, $0x4;
	v6 =	vperm.xlane v6, v10;
	v34 =	vld [tilespmem:s13+$0x780];
	s9 =	spop (v2sf)  }
0x65: {  	v35 =	vbroadcast v2, $0x5;
	v4 =	vsel vm0, v4, v5;
	v3 =	vperm.xlane v3, v11;
	v36 =	vld [tilespmem:s9+$0x800];
	s11 =	spop (v2sf)  }
0x66: {  	v38 =	vbroadcast v2, $0x6;
	v4 =	vsel vm1, v4, v6;
	v37 =	vperm.xlane v9, v33;
	v39 =	vld [tilespmem:s11+$0x880];
	s12 =	spop (v2sf)  }
0x67: {  	v41 =	vbroadcast v2, $0x7;
	v3 =	vsel vm2, v4, v3;
	v40 =	vperm.xlane v12, v35;
	v42 =	vld [tilespmem:s12+$0x900];
	s13 =	spop (v2sf)  }
0x68: {  	v44 =	vbroadcast v2, $0x8;
	v3 =	vsel vm3, v3, v37;
	v43 =	vperm.xlane v32, v38;
	v45 =	vld [tilespmem:s13+$0x980];
	s9 =	spop (v2sf)  }
0x69: {  	v47 =	vbroadcast v2, $0x9;
	v3 =	vsel vm4, v3, v40;
	v46 =	vperm.xlane v34, v41;
	v48 =	vld [tilespmem:s9+$0xA00];
	s11 =	spop (v2sf)  }
0x6a: {  	v50 =	vbroadcast v2, $0xA;
	v3 =	vsel vm5, v3, v43;
	v49 =	vperm.xlane v36, v44;
	v51 =	vld [tilespmem:s11+$0xA80];
	s12 =	spop (v2sf)  }
0x6b: {  	v53 =	vbroadcast v2, $0xB;
	v3 =	vsel vm6, v3, v46;
	v52 =	vperm.xlane v39, v47;
	v54 =	vld [tilespmem:s12+$0xB00];
	s13 =	spop (v2sf)  }
0x6c: {  	v56 =	vbroadcast v2, $0xC;
	v3 =	vsel vm7, v3, v49;
	v55 =	vperm.xlane v42, v50;
	v57 =	vld [tilespmem:s13+$0xB80]  }
0x6d: {  	v59 =	vbroadcast v2, $0xD;
	v3 =	vsel vm8, v3, v52;
	v58 =	vperm.xlane v45, v53  }
0x6e: {  	v61 =	vbroadcast v2, $0xE;
	v3 =	vsel vm9, v3, v55;
	v60 =	vperm.xlane v48, v56  }
0x6f: {  	v2 =	vbroadcast v2, $0xF;
	v3 =	vsel vm10, v3, v58;
	v62 =	vperm.xlane v51, v59  }
0x70: {  	v3 =	vsel vm11, v3, v60;
	v63 =	vperm.xlane v54, v61  }
0x71: {  	v3 =	vsel vm12, v3, v62;
	v2 =	vperm.xlane v57, v2  }
0x72: {  	v1 =	vperm.xlane v1, v0;
	v3 =	vsel vm13, v3, v63  }
0x73: {  	v2 =	vsel vm14, v3, v2  }
0x74: {  	v2 =	vadd.f32 v2, v1;
	_ =	sdelay $0x1  }
0x75: {  	v2 =	vsub.f32 $0.0e+00, v2;
	_ =	sdelay $0x1  }
0x76: {  	v2 =	vmul.f32 $1.442695020e+00, v2;
	_ =	sdelay $0x1  }
0x77: {  	(erf) = vpow2.f32 v2;
	_ =	sdelay $0x8  }
0x78: {  	v2 =	vpop (erf)  }
0x79: {  	v2 =	vadd.f32 $1.000000000e+00, v2;
	_ =	sdelay $0x1  }
0x7a: {  	(erf) = vrcp.f32 v2;
	_ =	sdelay $0x8  }
0x7b: {  	s1 =	simm.s32 $0x10400;
	v2 =	vpop (erf)  }
0x7c: {  	s11 =	simm.s32 $0x10;
	[tilespmem:s1+$0x0] =	vst v2  }
0x7d: {  	v2 =	vld [tilespmem:s11+$0x0]  }
0x7e: {  	s9 =	simm.s32 $0x2000;
	s12 =	simm.s32 $0x4000  }
.LBB2_4:
0x7f: {  	p0 =	sne.s32 s12, $0x3E000;
	_ =	sdelay $0x2  }
0x80: {  	v3 =	vand.u32 $0x78, v2  }
0x81: {  	s13 =	sshra.s32 s9, $0x2;
	s9 =	smov.u32 s12;
	v3 =	vmin.u32 v3, $0x70  }
0x82: {  	v4 =	vadd.s32 s13, v3  }
0x83: {  	(v2sf) =	vpush v4, $0x0  }
0x84: {  	(v2sf) =	vpush v4, $0x1  }
0x85: {  	(v2sf) =	vpush v4, $0x2  }
0x86: {  	(v2sf) =	vpush v4, $0x3  }
0x87: {  	(v2sf) =	vpush v4, $0x4  }
0x88: {  	(v2sf) =	vpush v4, $0x5  }
0x89: {  	(v2sf) =	vpush v4, $0x6  }
0x8a: {  	(v2sf) =	vpush v4, $0x7  }
0x8b: {  	(v2sf) =	vpush v4, $0x8  }
0x8c: {  	(v2sf) =	vpush v4, $0x9  }
0x8d: {  	(v2sf) =	vpush v4, $0xA  }
0x8e: {  	(v2sf) =	vpush v4, $0xB  }
0x8f: {  	(v2sf) =	vpush v4, $0xC  }
0x90: {  	(v2sf) =	vpush v4, $0xD  }
0x91: {  	(v2sf) =	vpush v4, $0xE  }
0x92: {  	s13 =	spop (v2sf);
	(v2sf) =	vpush v4, $0xF  }
0x93: {  	v4 =	vld [tilespmem:s13+$0x400];
	s13 =	spop (v2sf)  }
0x94: {  	v5 =	vld [tilespmem:s13+$0x480];
	s13 =	spop (v2sf)  }
0x95: {  	v6 =	vld [tilespmem:s13+$0x500];
	s13 =	spop (v2sf)  }
0x96: {  	v2 =	vsub.s32 v2, v3;
	v3 =	vld [tilespmem:s13+$0x580];
	s13 =	spop (v2sf)  }
0x97: {  	v7 =	vbroadcast v2, $0x0;
	v8 =	vbroadcast v2, $0x1;
	v9 =	vld [tilespmem:s13+$0x600];
	s13 =	spop (v2sf)  }
0x98: {  	v10 =	vbroadcast v2, $0x2;
	v11 =	vbroadcast v2, $0x3;
	v12 =	vld [tilespmem:s13+$0x680];
	s13 =	spop (v2sf)  }
0x99: {  	v4 =	vperm.xlane v4, v7;
	v5 =	vperm.xlane v5, v8;
	v7 =	vld [tilespmem:s13+$0x700];
	s13 =	spop (v2sf)  }
0x9a: {  	v8 =	vbroadcast v2, $0x4;
	v6 =	vperm.xlane v6, v10;
	v10 =	vld [tilespmem:s13+$0x780];
	s13 =	spop (v2sf)  }
0x9b: {  	v4 =	vsel vm0, v4, v5;
	v3 =	vperm.xlane v3, v11;
	v5 =	vbroadcast v2, $0x5;
	v11 =	vld [tilespmem:s13+$0x800];
	s13 =	spop (v2sf)  }
0x9c: {  	v4 =	vsel vm1, v4, v6;
	v6 =	vperm.xlane v9, v8;
	v8 =	vbroadcast v2, $0x6;
	v9 =	vld [tilespmem:s13+$0x880];
	s13 =	spop (v2sf)  }
0x9d: {  	v3 =	vsel vm2, v4, v3;
	v4 =	vperm.xlane v12, v5;
	v5 =	vbroadcast v2, $0x7;
	v12 =	vld [tilespmem:s13+$0x900];
	s13 =	spop (v2sf)  }
0x9e: {  	v3 =	vsel vm3, v3, v6;
	v6 =	vperm.xlane v7, v8;
	v7 =	vbroadcast v2, $0x8;
	v8 =	vld [tilespmem:s13+$0x980];
	s13 =	spop (v2sf)  }
0x9f: {  	v3 =	vsel vm4, v3, v4;
	v4 =	vperm.xlane v10, v5;
	v5 =	vbroadcast v2, $0x9;
	v10 =	vld [tilespmem:s13+$0xA00];
	s13 =	spop (v2sf)  }
0xa0: {  	v3 =	vsel vm5, v3, v6;
	v6 =	vperm.xlane v11, v7;
	v7 =	vbroadcast v2, $0xA;
	v11 =	vld [tilespmem:s13+$0xA80];
	s13 =	spop (v2sf)  }
0xa1: {  	v3 =	vsel vm6, v3, v4;
	v4 =	vperm.xlane v9, v5;
	v5 =	vbroadcast v2, $0xB;
	v9 =	vld [tilespmem:s13+$0xB00];
	s13 =	spop (v2sf)  }
0xa2: {  	v3 =	vsel vm7, v3, v6;
	v6 =	vperm.xlane v12, v7;
	v7 =	vbroadcast v2, $0xC;
	v12 =	vld [tilespmem:s13+$0xB80]  }
0xa3: {  	v3 =	vsel vm8, v3, v4;
	v4 =	vperm.xlane v8, v5;
	v5 =	vbroadcast v2, $0xD  }
0xa4: {  	v3 =	vsel vm9, v3, v6;
	v6 =	vperm.xlane v10, v7;
	v7 =	vbroadcast v2, $0xE  }
0xa5: {  	v2 =	vbroadcast v2, $0xF;
	v3 =	vsel vm10, v3, v4;
	v4 =	vperm.xlane v11, v5  }
0xa6: {  	v3 =	vsel vm11, v3, v6;
	v5 =	vperm.xlane v9, v7  }
0xa7: {  	v3 =	vsel vm12, v3, v4;
	v2 =	vperm.xlane v12, v2  }
0xa8: {  	v3 =	vsel vm13, v3, v5  }
0xa9: {  	v2 =	vsel vm14, v3, v2  }
0xaa: {  	v2 =	vadd.f32 v2, v1;
	_ =	sdelay $0x1  }
0xab: {  	v2 =	vsub.f32 $0.0e+00, v2;
	_ =	sdelay $0x1  }
0xac: {  	v2 =	vmul.f32 $1.442695020e+00, v2;
	_ =	sdelay $0x1  }
0xad: {  	(erf) = vpow2.f32 v2;
	_ =	sdelay $0x8  }
0xae: {  	v2 =	vpop (erf)  }
0xaf: {  	v2 =	vadd.f32 $1.000000000e+00, v2;
	_ =	sdelay $0x1  }
0xb0: {  	(erf) = vrcp.f32 v2;
	_ =	sdelay $0x7  }
.Ltmp1:
0xb1: {  	(pc) =	sbr.rel @p0 .LBB2_4-.Ltmp1, $4  }
0xb2: {  	s1 =	sadd.s32 $0x10, s1;
	v2 =	vpop (erf)  }
0xb3: {  	s11 =	sadd.s32 $0x10, s11;
	[tilespmem:s1+$0x0] =	vst v2  }
0xb4: {  	v2 =	vld [tilespmem:s11+$0x0]  }
0xb5: {  	s12 =	sadd.s32 $0x2000, s12  }
0xb6: {  	_ =	sdelay $0x2  }
0xb7: {  	v3 =	vand.u32 $0x78, v2  }
0xb8: {  	s9 =	sshra.s32 s9, $0x2;
	v3 =	vmin.u32 v3, $0x70  }
0xb9: {  	v4 =	vadd.s32 s9, v3  }
0xba: {  	(v2sf) =	vpush v4, $0x0  }
0xbb: {  	(v2sf) =	vpush v4, $0x1  }
0xbc: {  	(v2sf) =	vpush v4, $0x2  }
0xbd: {  	(v2sf) =	vpush v4, $0x3  }
0xbe: {  	(v2sf) =	vpush v4, $0x4  }
0xbf: {  	(v2sf) =	vpush v4, $0x5  }
0xc0: {  	(v2sf) =	vpush v4, $0x6  }
0xc1: {  	(v2sf) =	vpush v4, $0x7  }
0xc2: {  	(v2sf) =	vpush v4, $0x8  }
0xc3: {  	(v2sf) =	vpush v4, $0x9  }
0xc4: {  	(v2sf) =	vpush v4, $0xA  }
0xc5: {  	(v2sf) =	vpush v4, $0xB  }
0xc6: {  	(v2sf) =	vpush v4, $0xC  }
0xc7: {  	(v2sf) =	vpush v4, $0xD  }
0xc8: {  	(v2sf) =	vpush v4, $0xE  }
0xc9: {  	s13 =	spop (v2sf);
	(v2sf) =	vpush v4, $0xF  }
0xca: {  	v31 =	vld [tilespmem:s13+$0x400];
	s11 =	spop (v2sf)  }
0xcb: {  	v5 =	vld [tilespmem:s11+$0x480];
	s12 =	spop (v2sf)  }
0xcc: {  	v6 =	vld [tilespmem:s12+$0x500];
	s13 =	spop (v2sf)  }
0xcd: {  	v2 =	vsub.s32 v2, v3;
	v3 =	vld [tilespmem:s13+$0x580];
	s11 =	spop (v2sf)  }
0xce: {  	v7 =	vbroadcast v2, $0x0;
	v8 =	vbroadcast v2, $0x1;
	v9 =	vld [tilespmem:s11+$0x600];
	s12 =	spop (v2sf)  }
0xcf: {  	v10 =	vbroadcast v2, $0x2;
	v11 =	vbroadcast v2, $0x3;
	v12 =	vld [tilespmem:s12+$0x680];
	s13 =	spop (v2sf)  }
0xd0: {  	v4 =	vperm.xlane v31, v7;
	v5 =	vperm.xlane v5, v8;
	v32 =	vld [tilespmem:s13+$0x700];
	s11 =	spop (v2sf)  }
0xd1: {  	v33 =	vbroadcast v2, $0x4;
	v6 =	vperm.xlane v6, v10;
	v34 =	vld [tilespmem:s11+$0x780];
	s12 =	spop (v2sf)  }
0xd2: {  	v35 =	vbroadcast v2, $0x5;
	v4 =	vsel vm0, v4, v5;
	v3 =	vperm.xlane v3, v11;
	v36 =	vld [tilespmem:s12+$0x800];
	s13 =	spop (v2sf)  }
0xd3: {  	v38 =	vbroadcast v2, $0x6;
	v4 =	vsel vm1, v4, v6;
	v37 =	vperm.xlane v9, v33;
	v39 =	vld [tilespmem:s13+$0x880];
	s11 =	spop (v2sf)  }
0xd4: {  	v41 =	vbroadcast v2, $0x7;
	v3 =	vsel vm2, v4, v3;
	v40 =	vperm.xlane v12, v35;
	v42 =	vld [tilespmem:s11+$0x900];
	s12 =	spop (v2sf)  }
0xd5: {  	v44 =	vbroadcast v2, $0x8;
	v3 =	vsel vm3, v3, v37;
	v43 =	vperm.xlane v32, v38;
	v45 =	vld [tilespmem:s12+$0x980];
	s13 =	spop (v2sf)  }
0xd6: {  	v47 =	vbroadcast v2, $0x9;
	v3 =	vsel vm4, v3, v40;
	v46 =	vperm.xlane v34, v41;
	v48 =	vld [tilespmem:s13+$0xA00];
	s11 =	spop (v2sf)  }
0xd7: {  	v50 =	vbroadcast v2, $0xA;
	v3 =	vsel vm5, v3, v43;
	v49 =	vperm.xlane v36, v44;
	v51 =	vld [tilespmem:s11+$0xA80];
	s12 =	spop (v2sf)  }
0xd8: {  	v53 =	vbroadcast v2, $0xB;
	v3 =	vsel vm6, v3, v46;
	v52 =	vperm.xlane v39, v47;
	v54 =	vld [tilespmem:s12+$0xB00];
	s13 =	spop (v2sf)  }
0xd9: {  	v56 =	vbroadcast v2, $0xC;
	v3 =	vsel vm7, v3, v49;
	v55 =	vperm.xlane v42, v50;
	v57 =	vld [tilespmem:s13+$0xB80]  }
0xda: {  	v59 =	vbroadcast v2, $0xD;
	v3 =	vsel vm8, v3, v52;
	v58 =	vperm.xlane v45, v53  }
0xdb: {  	v61 =	vbroadcast v2, $0xE;
	v3 =	vsel vm9, v3, v55;
	v60 =	vperm.xlane v48, v56  }
0xdc: {  	v2 =	vbroadcast v2, $0xF;
	v3 =	vsel vm10, v3, v58;
	v62 =	vperm.xlane v51, v59  }
0xdd: {  	v3 =	vsel vm11, v3, v60;
	v63 =	vperm.xlane v54, v61  }
0xde: {  	v3 =	vsel vm12, v3, v62;
	v2 =	vperm.xlane v57, v2  }
0xdf: {  	v3 =	vsel vm13, v3, v63  }
0xe0: {  	v2 =	vsel vm14, v3, v2  }
0xe1: {  	v1 =	vadd.f32 v2, v1;
	_ =	sdelay $0x1  }
0xe2: {  	v1 =	vsub.f32 $0.0e+00, v1;
	_ =	sdelay $0x1  }
0xe3: {  	v1 =	vmul.f32 $1.442695020e+00, v1;
	_ =	sdelay $0x1  }
0xe4: {  	(erf) = vpow2.f32 v1;
	_ =	sdelay $0x8  }
0xe5: {  	v1 =	vpop (erf)  }
0xe6: {  	v1 =	vadd.f32 $1.000000000e+00, v1;
	_ =	sdelay $0x1  }
0xe7: {  	(erf) = vrcp.f32 v1;
	_ =	sdelay $0x7  }
0xe8: {  	s2 =	sadd.s32 $0x1, s2  }
0xe9: {  	s1 =	sadd.s32 $0x10, s1;
	p0 =	sne.s32 s2, s7;
	v1 =	vpop (erf)  }
.Ltmp2:
0xea: {  	[tilespmem:s1+$0x0] =	vst v1;
	(pc) =	sbr.rel @p0 .LBB2_1-.Ltmp2, $4  }
0xeb: {  	[hbm4b:s6+s3] =	stream.linear.scatter [tilespmem:s0], [sflag:$0x5], $0x200, $0x38;
	[tilespmem:$0x10680] =	vst v63  }
0xec: {  	_ =	swait.ge [sflag:s8], $0x200  }
0xed: {  	[sflag:s8] =	ssyncset.done $0x0  }
0xee: {  	[sflag:s8] =	ssyncadd.s32 $0xFFFFFE00  }
0xef: {  	_ =	sfence.sel $0x180000  }
0xf0: {  	[bflag:$0x0] =	sbarrier.arrive $0xFFFF  }
0xf1: {  	_ =	strace $0x90000047  }
0xf2: {  	s0 =	stileid.u32;
	[bflag:$0x2] =	sbarrier.arrive $0xFFFF  }
0xf3: {  	p0 =	sne.s32 s0, $0x0;
	s0 =	rddreg [dreg:$0x4]  }
0xf4: {  	s0 =	sadd.s32 @!p0 $0x100000, s0  }
0xf5: {  	[sflag:s0] =	ssyncadd.tile.s32 @!p0 $0x1;
	_ =	shalt  }
.Lfunc_end2:
_tile_overlayer_lowered:
.L_overlay_start_2:
0xf6: {  	(tag) =	ssettag $0x2  }
0xf7: {  	s0 =	rddreg [dreg:$0x0];
	s2 =	stileid.u32  }
0xf8: {  	s1 =	rddreg [dreg:$0x1];
	p0 =	sne.s32 s2, $0x0  }
0xf9: {  	s3 =	rddreg [dreg:$0x2];
	[bflag:$0x3] =	sbarrier.arrive $0xFFFF;
	s2 =	simm.s32 @!p0 $0x1C05  }
0xfa: {  	[timem:s3], [sflag:s2] =	dma.local @!p0 [hbm:s0], s1  }
0xfb: {  	s0 =	simm.s32 @!p0 $0x5  }
0xfc: {  	_ =	swait.ge @!p0 [sflag:s0], s1  }
0xfd: {  	s1 =	ssub.s32 @!p0 $0x0, s1;
	[sflag:s0] =	ssyncset.done @!p0 $0x0  }
0xfe: {  	[sflag:s0] =	ssyncadd.s32 @!p0 s1  }
0xff: {  	[bflag:$0x3] =	sbarrier.arrive $0xFFFF  }
0x100: {  	_ =	shalt  }

</sc_bundles>
